<compile_context>
chip_gen: v7x
topology: tpu7x:2x2x1
jax: 0.10.2.dev20260603
libtpu: 0.0.44.dev20260713+nightly
codegen_flags: <defaults>
</compile_context>

<pallas_src>
import functools

import jax
import jax.numpy as jnp
from jax import lax
from jax.experimental import pallas as pl
from jax.experimental.pallas import tpu as pltpu
from jax.experimental.pallas import tpu_sc as plsc

N_BITS = 2
N_LEVELS = 2 ** N_BITS

NC = 2
NS = 16
NW = NC * NS
LANES = 16
CHUNK = 12544
N_ACC = 13

K_SC = 4
TC_BC = 64


def _moments(x, t1, t2, t3, av, tn, one, zero):
    c1 = jnp.where(x > t1, one, zero)
    c2 = jnp.where(x >= t2, one, zero)
    c3 = jnp.where(x > t3, one, zero)
    y1 = x * c1
    y2 = x * c2
    y3 = x * c3
    xx = x * x
    b = c1 + c2 + c3
    ad = jnp.abs(x - av * b)
    near = jnp.where(ad < tn, one, zero)
    return (c1, c2, c3, x, y1, y2, y3, xx, y1 * x, y2 * x, y3 * x, ad, near)


def _sc_vec_body(buf, i, acc, t1, t2, t3, av, tn):
    x = buf[pl.ds(i * LANES, LANES)]
    one = jnp.full((LANES,), 1.0, jnp.float32)
    zero = jnp.full((LANES,), 0.0, jnp.float32)
    terms = _moments(x, t1, t2, t3, av, tn, one, zero)
    return tuple(a + t for a, t in zip(acc, terms))


@functools.partial(jax.jit, static_argnames=("n",))
def _sc_reduce(acts_flat, alpha_vec, *, n):
    per_w = n // NW
    n_chunks = per_w // CHUNK
    assert per_w * NW == n and n_chunks * CHUNK == per_w and n_chunks % 2 == 0

    mesh = plsc.VectorSubcoreMesh(core_axis_name="c", subcore_axis_name="s",
                                  num_cores=NC, num_subcores=NS)

    @functools.partial(
        pl.kernel,
        out_type=jax.ShapeDtypeStruct((NW, N_ACC * LANES), jnp.float32),
        mesh=mesh,
        scratch_types=[
            pltpu.VMEM((CHUNK,), jnp.float32),
            pltpu.VMEM((CHUNK,), jnp.float32),
            pltpu.VMEM((LANES,), jnp.float32),
            pltpu.VMEM((N_ACC * LANES,), jnp.float32),
            pltpu.SemaphoreType.DMA,
            pltpu.SemaphoreType.DMA,
        ],
    )
    def sc_kernel(acts_hbm, av_hbm, out_hbm, buf0, buf1, pv, stage, sem0, sem1):
        wid = lax.axis_index("s") * NC + lax.axis_index("c")
        base = wid * per_w

        pltpu.sync_copy(av_hbm, pv)
        av = pv[...]
        t1 = av * 0.5
        t2 = av * 1.5
        t3 = av * 2.5
        tn = av * 0.01

        bufs = (buf0, buf1)
        sems = (sem0, sem1)

        def issue(c, p):
            pltpu.async_copy(acts_hbm.at[pl.ds(base + c * CHUNK, CHUNK)],
                             bufs[p], sems[p])

        def wait(p):
            pltpu.make_async_copy(acts_hbm.at[pl.ds(base, CHUNK)],
                                  bufs[p], sems[p]).wait()

        def process(p, acc):
            return lax.fori_loop(
                0, CHUNK // LANES,
                lambda i, a: _sc_vec_body(bufs[p], i, a, t1, t2, t3, av, tn),
                acc, unroll=4)

        issue(0, 0)

        acc0 = (jnp.zeros((LANES,), jnp.float32),) * N_ACC

        def pair_body(g, acc):
            c = 2 * g
            issue(c + 1, 1)
            wait(0)
            acc = process(0, acc)
            issue(c + 2, 0)
            wait(1)
            acc = process(1, acc)
            return acc

        acc = lax.fori_loop(0, n_chunks // 2 - 1, pair_body, acc0)
        issue(n_chunks - 1, 1)
        wait(0)
        acc = process(0, acc)
        wait(1)
        acc = process(1, acc)

        for r in range(N_ACC):
            stage[pl.ds(r * LANES, LANES)] = acc[r]
        pltpu.sync_copy(stage, out_hbm.at[wid])

    return sc_kernel(acts_flat, alpha_vec)


def _tc_body(params_ref, x_ref, out_ref, acc_ref):
    o = pl.program_id(0)
    c = pl.program_id(1)
    no = pl.num_programs(0)
    gc = pl.num_programs(1)

    @pl.when(jnp.logical_and(o == 0, c == 0))
    def _():
        acc_ref[...] = jnp.zeros_like(acc_ref)

    a = params_ref[0]
    one = jnp.float32(1.0)
    zero = jnp.float32(0.0)

    def _fold56(t):
        r = t[0:8]
        for k in range(1, 7):
            r = r + t[8 * k:8 * (k + 1)]
        return r

    def face(i, accs):
        x = x_ref[0, i]
        terms = _moments(x, a * 0.5, a * 1.5, a * 2.5, a, a * 0.01, one, zero)
        return tuple(acc + _fold56(t) for acc, t in zip(accs, terms))

    acc0 = (jnp.zeros((8, x_ref.shape[3]), jnp.float32),) * N_ACC
    accs = lax.fori_loop(0, TC_BC, face, acc0, unroll=4)
    for j in range(N_ACC):
        acc_ref[j] += accs[j]

    @pl.when(jnp.logical_and(o == no - 1, c == gc - 1))
    def _():
        out_ref[...] = acc_ref[...]


@functools.partial(jax.jit, static_argnames=("k0", "n_out", "n_ch"))
def _tc_reduce(acts, params, *, k0, n_out, n_ch):
    gc = n_ch // TC_BC
    grid = (n_out, gc)
    h, w = acts.shape[2], acts.shape[3]
    return pl.pallas_call(
        _tc_body,
        grid=grid,
        in_specs=[
            pl.BlockSpec(memory_space=pltpu.SMEM),
            pl.BlockSpec((1, TC_BC, h, w), lambda o, c: (k0 + o, c, 0, 0)),
        ],
        out_specs=pl.BlockSpec((N_ACC, 8, w), lambda o, c: (0, 0, 0)),
        out_shape=jax.ShapeDtypeStruct((N_ACC, 8, w), jnp.float32),
        scratch_shapes=[pltpu.VMEM((N_ACC, 8, w), jnp.float32)],
        compiler_params=pltpu.CompilerParams(
            dimension_semantics=("arbitrary", "arbitrary")),
    )(params, acts)


def kernel(activations, alpha):
    dt = jnp.float32
    alpha = alpha.astype(dt)
    n = activations.size
    n_sc = K_SC * activations.shape[1] * activations.shape[2] * activations.shape[3]

    acts_sc = activations[:K_SC].reshape(-1)
    alpha_vec = jnp.full((LANES,), alpha, dt)
    sc_parts = _sc_reduce(acts_sc, alpha_vec, n=n_sc)

    params = jnp.full((8,), alpha, dt)
    tc_parts = _tc_reduce(activations, params, k0=K_SC,
                          n_out=activations.shape[0] - K_SC,
                          n_ch=activations.shape[1])

    tot = (sc_parts.reshape(NW, N_ACC, LANES).sum(axis=(0, 2))
           + tc_parts.sum(axis=(1, 2)))
    s1, s2, s3, S, P1, P2, P3, Q, R1, R2, R3, D, E = [tot[i] for i in range(N_ACC)]

    nf = jnp.asarray(n, dt)
    cnt = jnp.stack([nf - s1, s1 - s2, s2 - s3, s3])
    bsum = jnp.stack([S - P1, P1 - P2, P2 - P3, P3])
    bsq = jnp.stack([Q - R1, R1 - R2, R2 - R3, R3])

    levels = jnp.arange(N_LEVELS, dtype=dt) * alpha
    safe = jnp.maximum(cnt, 1.0)
    mean = bsum / safe
    mse = jnp.where(cnt > 0, (mean - levels) ** 2, 0.0)
    total_mse = jnp.sum(mse)
    var = (bsq - 2.0 * mean * bsum + cnt * mean * mean) / safe
    total_var = jnp.sum(jnp.where(cnt >= 2, var, 0.0))
    loss = total_mse + total_var

    qsq = bsq - 2.0 * levels * bsum + cnt * levels * levels
    quantization_mse = jnp.sum(qsq) / nf
    mean_distance = D / nf
    max_dist = alpha * 0.5
    effectiveness = jnp.clip(100.0 * (1.0 - mean_distance / (max_dist + 1e-12)),
                             0.0, 100.0)
    near_levels = (E / nf) * 100.0
    return (loss, total_mse, total_var, quantization_mse, mean_distance,
            effectiveness, near_levels)

# --- scband reference (transcript-rebuilt; emitter-appended) ---
"""Pipeline reference for scband-bin-regularizer-25572235280639 (READ-ONLY COPY).

The authoritative reference and input builder live on the scoring server;
editing this copy changes nothing except your own understanding.
"""

import jax, jax.numpy as jnp
import numpy as np

NUM_BITS = 2
QN = 0
QP = 2 ** NUM_BITS - 1
NUM_LEVELS = 2 ** NUM_BITS


def setup_inputs(seed: int = 0) -> dict:
    key = jax.random.key(seed)
    k1, _ = jax.random.split(key)
    activations = jax.random.normal(k1, (64, 256, 56, 56), dtype=jnp.float32)
    alpha = jnp.ones((), dtype=jnp.float32)
    return {"activations": activations, "alpha": alpha}


def reference(activations, alpha):
    acts_flat = activations.reshape(-1)
    dt = acts_flat.dtype
    level_indices = jnp.arange(NUM_LEVELS, dtype=dt)
    levels = level_indices * alpha
    bin_assignments = jnp.round(jnp.clip(acts_flat / alpha, QN, QP)).astype(jnp.int32)
    total_mse = jnp.asarray(0.0, dt)
    total_var = jnp.asarray(0.0, dt)
    for bin_idx in range(NUM_LEVELS):
        mask = bin_assignments == bin_idx
        cnt = jnp.sum(mask)
        cntf = cnt.astype(dt)
        safe = jnp.maximum(cntf, 1.0)
        bin_sum = jnp.sum(jnp.where(mask, acts_flat, 0.0))
        bin_mean = bin_sum / safe
        mse_loss = (bin_mean - levels[bin_idx]) ** 2
        total_mse = total_mse + jnp.where(cnt > 0, mse_loss, jnp.asarray(0.0, dt))
        var_loss = jnp.sum(jnp.where(mask, (acts_flat - bin_mean) ** 2, 0.0)) / safe
        total_var = total_var + jnp.where(cnt >= 2, var_loss, jnp.asarray(0.0, dt))
    loss = total_mse + total_var
    # diagnostics (computed under no_grad in torch)
    acts_quantized = jax.lax.stop_gradient(bin_assignments.astype(dt) * alpha)
    af = jax.lax.stop_gradient(acts_flat)
    a = jax.lax.stop_gradient(alpha)
    mean_distance = jnp.mean(jnp.abs(af - acts_quantized))
    max_dist = a * 0.5
    effectiveness = jnp.clip(100.0 * (1.0 - mean_distance / (max_dist + 1e-12)), 0.0, 100.0)
    threshold = 0.01 * a
    near_levels = jnp.mean((jnp.abs(af - acts_quantized) < threshold).astype(dt)) * 100.0
    quantization_mse = jnp.mean((af - acts_quantized) ** 2)
    return (loss, total_mse, total_var, quantization_mse, mean_distance, effectiveness, near_levels)

if __name__ == "__main__":
    import jax
    _d = setup_inputs()
    print(jax.jit(kernel)(*tuple(_d.values())))

</pallas_src>

<mosaic_0001>
#map = affine_map<(d0, d1) -> (0)>
#map1 = affine_map<(d0, d1) -> (0, 0)>
module attributes {stable_mosaic.version = 14 : i64} {
  func.func @sc_kernel(%arg0: i32, %arg1: i32, %arg2: memref<3211264xf32, #tpu.memory_space<hbm>>, %arg3: memref<16xf32, #tpu.memory_space<hbm>>, %arg4: memref<32x208xf32, #tpu.memory_space<hbm>>, %arg5: memref<12544xf32, #tpu.memory_space<vmem>>, %arg6: memref<12544xf32, #tpu.memory_space<vmem>>, %arg7: memref<16xf32, #tpu.memory_space<vmem>>, %arg8: memref<208xf32, #tpu.memory_space<vmem>>, %arg9: memref<!tpu.dma_semaphore, #tpu.memory_space<semaphore_mem>>, %arg10: memref<!tpu.dma_semaphore, #tpu.memory_space<semaphore_mem>>) attributes {dimension_semantics = [#tpu.dimension_semantics<core_parallel>, #tpu.dimension_semantics<subcore_parallel>], iteration_bounds = array<i64: 2, 16>, scalar_prefetch = 0 : i64, scratch_operands = 6 : i64, tpu.core_type = #tpu.core_type<sc_vector_subcore>, window_params = [{transform_indices = #map}, {transform_indices = #map}, {transform_indices = #map1}]} {
    %mul3A = arith.constant 2 : i32
    %mul3A_0 = arith.muli %arg1, %mul3A : i32
    %add3A = arith.addi %mul3A_0, %arg0 : i32
    %mul3A_1 = arith.constant 100352 : i32
    %mul3A_2 = arith.muli %add3A, %mul3A_1 : i32
    "tpu.region"() ({
      %run_scoped3A = tpu.sem_alloc : memref<!tpu.dma_semaphore, #tpu.memory_space<semaphore_mem>>
      tpu.enqueue_dma source(%arg3 : memref<16xf32, #tpu.memory_space<hbm>>) target(%arg7 : memref<16xf32, #tpu.memory_space<vmem>>) target_semaphore(%run_scoped3A : memref<!tpu.dma_semaphore, #tpu.memory_space<semaphore_mem>>)
      tpu.wait_dma2 semaphore(%run_scoped3A : memref<!tpu.dma_semaphore, #tpu.memory_space<semaphore_mem>>) src(%arg3 : memref<16xf32, #tpu.memory_space<hbm>>) dst(%arg7 : memref<16xf32, #tpu.memory_space<vmem>>)
      tpu.yield
    }) : () -> ()
    %get3A = arith.constant 0 : index
    %get3A_3 = tpu.vector_load %arg7[%get3A] {strides = array<i32>} : memref<16xf32, #tpu.memory_space<vmem>>, vector<16xf32>,
    %get3A_4 = vector.shape_cast %get3A_3 : vector<16xf32> to vector<16xf32>
    %mul3A_5 = arith.constant 5.000000e-01 : f32
    %mul3A_6 = vector.broadcast %mul3A_5 : f32 to vector<16xf32>
    %mul3A_7 = arith.mulf %get3A_4, %mul3A_6 : vector<16xf32>
    %mul3A_8 = arith.constant 1.500000e+00 : f32
    %mul3A_9 = vector.broadcast %mul3A_8 : f32 to vector<16xf32>
    %mul3A_10 = arith.mulf %get3A_4, %mul3A_9 : vector<16xf32>
    %mul3A_11 = arith.constant 2.500000e+00 : f32
    %mul3A_12 = vector.broadcast %mul3A_11 : f32 to vector<16xf32>
    %mul3A_13 = arith.mulf %get3A_4, %mul3A_12 : vector<16xf32>
    %mul3A_14 = arith.constant 0.00999999977 : f32
    %mul3A_15 = vector.broadcast %mul3A_14 : f32 to vector<16xf32>
    %mul3A_16 = arith.mulf %get3A_4, %mul3A_15 : vector<16xf32>
    %add3A_17 = arith.constant 0 : i32
    %add3A_18 = arith.addi %mul3A_2, %add3A_17 : i32
    %dma_start3A = tpu.memref_slice %arg2[%add3A_18] : memref<3211264xf32, #tpu.memory_space<hbm>> -> memref<12544xf32, #tpu.memory_space<hbm>>
    %dma_start3A_19 = tpu.memref_slice %arg2[%add3A_18] : memref<3211264xf32, #tpu.memory_space<hbm>> -> memref<12544xf32, #tpu.memory_space<hbm>>
    tpu.enqueue_dma source(%dma_start3A_19 : memref<12544xf32, #tpu.memory_space<hbm>>) target(%arg5 : memref<12544xf32, #tpu.memory_space<vmem>>) target_semaphore(%arg9 : memref<!tpu.dma_semaphore, #tpu.memory_space<semaphore_mem>>)
    %broadcast_in_dim3A = arith.constant 0.000000e+00 : f32
    %broadcast_in_dim3A_20 = vector.broadcast %broadcast_in_dim3A : f32 to vector<16xf32>
    %scan3A = arith.constant 0 : i32
    %scan3A_21 = arith.constant 3 : i32
    %scan3A_22 = arith.addi %scan3A, %scan3A_21 : i32
    %scan3A_23 = arith.constant 1 : i32
    %scan3A_24:13 = scf.for %scan3A_96 = %scan3A to %scan3A_22 step %scan3A_23 iter_args(%scan3A_97 = %broadcast_in_dim3A_20, %scan3A_98 = %broadcast_in_dim3A_20, %scan3A_99 = %broadcast_in_dim3A_20, %scan3A_100 = %broadcast_in_dim3A_20, %scan3A_101 = %broadcast_in_dim3A_20, %scan3A_102 = %broadcast_in_dim3A_20, %scan3A_103 = %broadcast_in_dim3A_20, %scan3A_104 = %broadcast_in_dim3A_20, %scan3A_105 = %broadcast_in_dim3A_20, %scan3A_106 = %broadcast_in_dim3A_20, %scan3A_107 = %broadcast_in_dim3A_20, %scan3A_108 = %broadcast_in_dim3A_20, %scan3A_109 = %broadcast_in_dim3A_20) -> (vector<16xf32>, vector<16xf32>, vector<16xf32>, vector<16xf32>, vector<16xf32>, vector<16xf32>, vector<16xf32>, vector<16xf32>, vector<16xf32>, vector<16xf32>, vector<16xf32>, vector<16xf32>, vector<16xf32>)  : i32 {
      %mul3A_110 = arith.constant 2 : i32
      %mul3A_111 = arith.muli %mul3A_110, %scan3A_96 : i32
      %add3A_112 = arith.constant 1 : i32
      %add3A_113 = arith.addi %mul3A_111, %add3A_112 : i32
      %mul3A_114 = arith.constant 12544 : i32
      %mul3A_115 = arith.muli %add3A_113, %mul3A_114 : i32
      %add3A_116 = arith.addi %mul3A_2, %mul3A_115 : i32
      %dma_start3A_117 = tpu.memref_slice %arg2[%add3A_116] : memref<3211264xf32, #tpu.memory_space<hbm>> -> memref<12544xf32, #tpu.memory_space<hbm>>
      %dma_start3A_118 = tpu.memref_slice %arg2[%add3A_116] : memref<3211264xf32, #tpu.memory_space<hbm>> -> memref<12544xf32, #tpu.memory_space<hbm>>
      tpu.enqueue_dma source(%dma_start3A_118 : memref<12544xf32, #tpu.memory_space<hbm>>) target(%arg6 : memref<12544xf32, #tpu.memory_space<vmem>>) target_semaphore(%arg10 : memref<!tpu.dma_semaphore, #tpu.memory_space<semaphore_mem>>)
      %dma_wait3A_119 = tpu.memref_slice %arg2[%mul3A_2] : memref<3211264xf32, #tpu.memory_space<hbm>> -> memref<12544xf32, #tpu.memory_space<hbm>>
      %dma_wait3A_120 = tpu.memref_slice %arg2[%mul3A_2] : memref<3211264xf32, #tpu.memory_space<hbm>> -> memref<12544xf32, #tpu.memory_space<hbm>>
      tpu.wait_dma2 semaphore(%arg9 : memref<!tpu.dma_semaphore, #tpu.memory_space<semaphore_mem>>) src(%dma_wait3A_120 : memref<12544xf32, #tpu.memory_space<hbm>>) dst(%arg5 : memref<12544xf32, #tpu.memory_space<vmem>>)
      %scan3A_121 = arith.constant 0 : i32
      %scan3A_122 = arith.constant 784 : i32
      %scan3A_123 = arith.addi %scan3A_121, %scan3A_122 : i32
      %scan3A_124 = arith.constant 4 : i32
      %scan3A_125:13 = scf.for %scan3A_142 = %scan3A_121 to %scan3A_123 step %scan3A_124 iter_args(%scan3A_143 = %scan3A_97, %scan3A_144 = %scan3A_98, %scan3A_145 = %scan3A_99, %scan3A_146 = %scan3A_100, %scan3A_147 = %scan3A_101, %scan3A_148 = %scan3A_102, %scan3A_149 = %scan3A_103, %scan3A_150 = %scan3A_104, %scan3A_151 = %scan3A_105, %scan3A_152 = %scan3A_106, %scan3A_153 = %scan3A_107, %scan3A_154 = %scan3A_108, %scan3A_155 = %scan3A_109) -> (vector<16xf32>, vector<16xf32>, vector<16xf32>, vector<16xf32>, vector<16xf32>, vector<16xf32>, vector<16xf32>, vector<16xf32>, vector<16xf32>, vector<16xf32>, vector<16xf32>, vector<16xf32>, vector<16xf32>)  : i32 {
        %mul3A_156 = arith.constant 16 : i32
        %mul3A_157 = arith.muli %scan3A_142, %mul3A_156 : i32
        %get3A_158 = arith.index_cast %mul3A_157 : i32 to index
        %get3A_159 = tpu.vector_load %arg5[%get3A_158] {strides = array<i32>} : memref<12544xf32, #tpu.memory_space<vmem>>, vector<16xf32>,
        %get3A_160 = vector.shape_cast %get3A_159 : vector<16xf32> to vector<16xf32>
        %broadcast_in_dim3A_161 = arith.constant 1.000000e+00 : f32
        %broadcast_in_dim3A_162 = vector.broadcast %broadcast_in_dim3A_161 : f32 to vector<16xf32>
        %broadcast_in_dim3A_163 = arith.constant 0.000000e+00 : f32
        %broadcast_in_dim3A_164 = vector.broadcast %broadcast_in_dim3A_163 : f32 to vector<16xf32>
        %gt3A = arith.cmpf ogt, %get3A_160, %mul3A_7 : vector<16xf32>
        %select_n3A = arith.select %gt3A, %broadcast_in_dim3A_162, %broadcast_in_dim3A_164 : vector<16xi1>, vector<16xf32>
        %ge3A = arith.cmpf oge, %get3A_160, %mul3A_10 : vector<16xf32>
        %select_n3A_165 = arith.select %ge3A, %broadcast_in_dim3A_162, %broadcast_in_dim3A_164 : vector<16xi1>, vector<16xf32>
        %gt3A_166 = arith.cmpf ogt, %get3A_160, %mul3A_13 : vector<16xf32>
        %select_n3A_167 = arith.select %gt3A_166, %broadcast_in_dim3A_162, %broadcast_in_dim3A_164 : vector<16xi1>, vector<16xf32>
        %mul3A_168 = arith.mulf %get3A_160, %select_n3A : vector<16xf32>
        %mul3A_169 = arith.mulf %get3A_160, %select_n3A_165 : vector<16xf32>
        %mul3A_170 = arith.mulf %get3A_160, %select_n3A_167 : vector<16xf32>
        %mul3A_171 = arith.mulf %get3A_160, %get3A_160 : vector<16xf32>
        %add3A_172 = arith.addf %select_n3A, %select_n3A_165 : vector<16xf32>
        %add3A_173 = arith.addf %add3A_172, %select_n3A_167 : vector<16xf32>
        %mul3A_174 = arith.mulf %get3A_4, %add3A_173 : vector<16xf32>
        %sub3A = arith.subf %get3A_160, %mul3A_174 : vector<16xf32>
        %abs3A = math.absf %sub3A : vector<16xf32>
        %lt3A = arith.cmpf olt, %abs3A, %mul3A_16 : vector<16xf32>
        %select_n3A_175 = arith.select %lt3A, %broadcast_in_dim3A_162, %broadcast_in_dim3A_164 : vector<16xi1>, vector<16xf32>
        %mul3A_176 = arith.mulf %mul3A_168, %get3A_160 : vector<16xf32>
        %mul3A_177 = arith.mulf %mul3A_169, %get3A_160 : vector<16xf32>
        %mul3A_178 = arith.mulf %mul3A_170, %get3A_160 : vector<16xf32>
        %add3A_179 = arith.addf %scan3A_143, %select_n3A : vector<16xf32>
        %add3A_180 = arith.addf %scan3A_144, %select_n3A_165 : vector<16xf32>
        %add3A_181 = arith.addf %scan3A_145, %select_n3A_167 : vector<16xf32>
        %add3A_182 = arith.addf %scan3A_146, %get3A_160 : vector<16xf32>
        %add3A_183 = arith.addf %scan3A_147, %mul3A_168 : vector<16xf32>
        %add3A_184 = arith.addf %scan3A_148, %mul3A_169 : vector<16xf32>
        %add3A_185 = arith.addf %scan3A_149, %mul3A_170 : vector<16xf32>
        %add3A_186 = arith.addf %scan3A_150, %mul3A_171 : vector<16xf32>
        %add3A_187 = arith.addf %scan3A_151, %mul3A_176 : vector<16xf32>
        %add3A_188 = arith.addf %scan3A_152, %mul3A_177 : vector<16xf32>
        %add3A_189 = arith.addf %scan3A_153, %mul3A_178 : vector<16xf32>
        %add3A_190 = arith.addf %scan3A_154, %abs3A : vector<16xf32>
        %add3A_191 = arith.addf %scan3A_155, %select_n3A_175 : vector<16xf32>
        %scan3A_192 = arith.constant 1 : i32
        %scan3A_193 = arith.addi %scan3A_142, %scan3A_192 : i32
        %mul3A_194 = arith.constant 16 : i32
        %mul3A_195 = arith.muli %scan3A_193, %mul3A_194 : i32
        %get3A_196 = arith.index_cast %mul3A_195 : i32 to index
        %get3A_197 = tpu.vector_load %arg5[%get3A_196] {strides = array<i32>} : memref<12544xf32, #tpu.memory_space<vmem>>, vector<16xf32>,
        %get3A_198 = vector.shape_cast %get3A_197 : vector<16xf32> to vector<16xf32>
        %broadcast_in_dim3A_199 = arith.constant 1.000000e+00 : f32
        %broadcast_in_dim3A_200 = vector.broadcast %broadcast_in_dim3A_199 : f32 to vector<16xf32>
        %broadcast_in_dim3A_201 = arith.constant 0.000000e+00 : f32
        %broadcast_in_dim3A_202 = vector.broadcast %broadcast_in_dim3A_201 : f32 to vector<16xf32>
        %gt3A_203 = arith.cmpf ogt, %get3A_198, %mul3A_7 : vector<16xf32>
        %select_n3A_204 = arith.select %gt3A_203, %broadcast_in_dim3A_200, %broadcast_in_dim3A_202 : vector<16xi1>, vector<16xf32>
        %ge3A_205 = arith.cmpf oge, %get3A_198, %mul3A_10 : vector<16xf32>
        %select_n3A_206 = arith.select %ge3A_205, %broadcast_in_dim3A_200, %broadcast_in_dim3A_202 : vector<16xi1>, vector<16xf32>
        %gt3A_207 = arith.cmpf ogt, %get3A_198, %mul3A_13 : vector<16xf32>
        %select_n3A_208 = arith.select %gt3A_207, %broadcast_in_dim3A_200, %broadcast_in_dim3A_202 : vector<16xi1>, vector<16xf32>
        %mul3A_209 = arith.mulf %get3A_198, %select_n3A_204 : vector<16xf32>
        %mul3A_210 = arith.mulf %get3A_198, %select_n3A_206 : vector<16xf32>
        %mul3A_211 = arith.mulf %get3A_198, %select_n3A_208 : vector<16xf32>
        %mul3A_212 = arith.mulf %get3A_198, %get3A_198 : vector<16xf32>
        %add3A_213 = arith.addf %select_n3A_204, %select_n3A_206 : vector<16xf32>
        %add3A_214 = arith.addf %add3A_213, %select_n3A_208 : vector<16xf32>
        %mul3A_215 = arith.mulf %get3A_4, %add3A_214 : vector<16xf32>
        %sub3A_216 = arith.subf %get3A_198, %mul3A_215 : vector<16xf32>
        %abs3A_217 = math.absf %sub3A_216 : vector<16xf32>
        %lt3A_218 = arith.cmpf olt, %abs3A_217, %mul3A_16 : vector<16xf32>
        %select_n3A_219 = arith.select %lt3A_218, %broadcast_in_dim3A_200, %broadcast_in_dim3A_202 : vector<16xi1>, vector<16xf32>
        %mul3A_220 = arith.mulf %mul3A_209, %get3A_198 : vector<16xf32>
        %mul3A_221 = arith.mulf %mul3A_210, %get3A_198 : vector<16xf32>
        %mul3A_222 = arith.mulf %mul3A_211, %get3A_198 : vector<16xf32>
        %add3A_223 = arith.addf %add3A_179, %select_n3A_204 : vector<16xf32>
        %add3A_224 = arith.addf %add3A_180, %select_n3A_206 : vector<16xf32>
        %add3A_225 = arith.addf %add3A_181, %select_n3A_208 : vector<16xf32>
        %add3A_226 = arith.addf %add3A_182, %get3A_198 : vector<16xf32>
        %add3A_227 = arith.addf %add3A_183, %mul3A_209 : vector<16xf32>
        %add3A_228 = arith.addf %add3A_184, %mul3A_210 : vector<16xf32>
        %add3A_229 = arith.addf %add3A_185, %mul3A_211 : vector<16xf32>
        %add3A_230 = arith.addf %add3A_186, %mul3A_212 : vector<16xf32>
        %add3A_231 = arith.addf %add3A_187, %mul3A_220 : vector<16xf32>
        %add3A_232 = arith.addf %add3A_188, %mul3A_221 : vector<16xf32>
        %add3A_233 = arith.addf %add3A_189, %mul3A_222 : vector<16xf32>
        %add3A_234 = arith.addf %add3A_190, %abs3A_217 : vector<16xf32>
        %add3A_235 = arith.addf %add3A_191, %select_n3A_219 : vector<16xf32>
        %scan3A_236 = arith.constant 2 : i32
        %scan3A_237 = arith.addi %scan3A_142, %scan3A_236 : i32
        %mul3A_238 = arith.constant 16 : i32
        %mul3A_239 = arith.muli %scan3A_237, %mul3A_238 : i32
        %get3A_240 = arith.index_cast %mul3A_239 : i32 to index
        %get3A_241 = tpu.vector_load %arg5[%get3A_240] {strides = array<i32>} : memref<12544xf32, #tpu.memory_space<vmem>>, vector<16xf32>,
        %get3A_242 = vector.shape_cast %get3A_241 : vector<16xf32> to vector<16xf32>
        %broadcast_in_dim3A_243 = arith.constant 1.000000e+00 : f32
        %broadcast_in_dim3A_244 = vector.broadcast %broadcast_in_dim3A_243 : f32 to vector<16xf32>
        %broadcast_in_dim3A_245 = arith.constant 0.000000e+00 : f32
        %broadcast_in_dim3A_246 = vector.broadcast %broadcast_in_dim3A_245 : f32 to vector<16xf32>
        %gt3A_247 = arith.cmpf ogt, %get3A_242, %mul3A_7 : vector<16xf32>
        %select_n3A_248 = arith.select %gt3A_247, %broadcast_in_dim3A_244, %broadcast_in_dim3A_246 : vector<16xi1>, vector<16xf32>
        %ge3A_249 = arith.cmpf oge, %get3A_242, %mul3A_10 : vector<16xf32>
        %select_n3A_250 = arith.select %ge3A_249, %broadcast_in_dim3A_244, %broadcast_in_dim3A_246 : vector<16xi1>, vector<16xf32>
        %gt3A_251 = arith.cmpf ogt, %get3A_242, %mul3A_13 : vector<16xf32>
        %select_n3A_252 = arith.select %gt3A_251, %broadcast_in_dim3A_244, %broadcast_in_dim3A_246 : vector<16xi1>, vector<16xf32>
        %mul3A_253 = arith.mulf %get3A_242, %select_n3A_248 : vector<16xf32>
        %mul3A_254 = arith.mulf %get3A_242, %select_n3A_250 : vector<16xf32>
        %mul3A_255 = arith.mulf %get3A_242, %select_n3A_252 : vector<16xf32>
        %mul3A_256 = arith.mulf %get3A_242, %get3A_242 : vector<16xf32>
        %add3A_257 = arith.addf %select_n3A_248, %select_n3A_250 : vector<16xf32>
        %add3A_258 = arith.addf %add3A_257, %select_n3A_252 : vector<16xf32>
        %mul3A_259 = arith.mulf %get3A_4, %add3A_258 : vector<16xf32>
        %sub3A_260 = arith.subf %get3A_242, %mul3A_259 : vector<16xf32>
        %abs3A_261 = math.absf %sub3A_260 : vector<16xf32>
        %lt3A_262 = arith.cmpf olt, %abs3A_261, %mul3A_16 : vector<16xf32>
        %select_n3A_263 = arith.select %lt3A_262, %broadcast_in_dim3A_244, %broadcast_in_dim3A_246 : vector<16xi1>, vector<16xf32>
        %mul3A_264 = arith.mulf %mul3A_253, %get3A_242 : vector<16xf32>
        %mul3A_265 = arith.mulf %mul3A_254, %get3A_242 : vector<16xf32>
        %mul3A_266 = arith.mulf %mul3A_255, %get3A_242 : vector<16xf32>
        %add3A_267 = arith.addf %add3A_223, %select_n3A_248 : vector<16xf32>
        %add3A_268 = arith.addf %add3A_224, %select_n3A_250 : vector<16xf32>
        %add3A_269 = arith.addf %add3A_225, %select_n3A_252 : vector<16xf32>
        %add3A_270 = arith.addf %add3A_226, %get3A_242 : vector<16xf32>
        %add3A_271 = arith.addf %add3A_227, %mul3A_253 : vector<16xf32>
        %add3A_272 = arith.addf %add3A_228, %mul3A_254 : vector<16xf32>
        %add3A_273 = arith.addf %add3A_229, %mul3A_255 : vector<16xf32>
        %add3A_274 = arith.addf %add3A_230, %mul3A_256 : vector<16xf32>
        %add3A_275 = arith.addf %add3A_231, %mul3A_264 : vector<16xf32>
        %add3A_276 = arith.addf %add3A_232, %mul3A_265 : vector<16xf32>
        %add3A_277 = arith.addf %add3A_233, %mul3A_266 : vector<16xf32>
        %add3A_278 = arith.addf %add3A_234, %abs3A_261 : vector<16xf32>
        %add3A_279 = arith.addf %add3A_235, %select_n3A_263 : vector<16xf32>
        %scan3A_280 = arith.constant 3 : i32
        %scan3A_281 = arith.addi %scan3A_142, %scan3A_280 : i32
        %mul3A_282 = arith.constant 16 : i32
        %mul3A_283 = arith.muli %scan3A_281, %mul3A_282 : i32
        %get3A_284 = arith.index_cast %mul3A_283 : i32 to index
        %get3A_285 = tpu.vector_load %arg5[%get3A_284] {strides = array<i32>} : memref<12544xf32, #tpu.memory_space<vmem>>, vector<16xf32>,
        %get3A_286 = vector.shape_cast %get3A_285 : vector<16xf32> to vector<16xf32>
        %broadcast_in_dim3A_287 = arith.constant 1.000000e+00 : f32
        %broadcast_in_dim3A_288 = vector.broadcast %broadcast_in_dim3A_287 : f32 to vector<16xf32>
        %broadcast_in_dim3A_289 = arith.constant 0.000000e+00 : f32
        %broadcast_in_dim3A_290 = vector.broadcast %broadcast_in_dim3A_289 : f32 to vector<16xf32>
        %gt3A_291 = arith.cmpf ogt, %get3A_286, %mul3A_7 : vector<16xf32>
        %select_n3A_292 = arith.select %gt3A_291, %broadcast_in_dim3A_288, %broadcast_in_dim3A_290 : vector<16xi1>, vector<16xf32>
        %ge3A_293 = arith.cmpf oge, %get3A_286, %mul3A_10 : vector<16xf32>
        %select_n3A_294 = arith.select %ge3A_293, %broadcast_in_dim3A_288, %broadcast_in_dim3A_290 : vector<16xi1>, vector<16xf32>
        %gt3A_295 = arith.cmpf ogt, %get3A_286, %mul3A_13 : vector<16xf32>
        %select_n3A_296 = arith.select %gt3A_295, %broadcast_in_dim3A_288, %broadcast_in_dim3A_290 : vector<16xi1>, vector<16xf32>
        %mul3A_297 = arith.mulf %get3A_286, %select_n3A_292 : vector<16xf32>
        %mul3A_298 = arith.mulf %get3A_286, %select_n3A_294 : vector<16xf32>
        %mul3A_299 = arith.mulf %get3A_286, %select_n3A_296 : vector<16xf32>
        %mul3A_300 = arith.mulf %get3A_286, %get3A_286 : vector<16xf32>
        %add3A_301 = arith.addf %select_n3A_292, %select_n3A_294 : vector<16xf32>
        %add3A_302 = arith.addf %add3A_301, %select_n3A_296 : vector<16xf32>
        %mul3A_303 = arith.mulf %get3A_4, %add3A_302 : vector<16xf32>
        %sub3A_304 = arith.subf %get3A_286, %mul3A_303 : vector<16xf32>
        %abs3A_305 = math.absf %sub3A_304 : vector<16xf32>
        %lt3A_306 = arith.cmpf olt, %abs3A_305, %mul3A_16 : vector<16xf32>
        %select_n3A_307 = arith.select %lt3A_306, %broadcast_in_dim3A_288, %broadcast_in_dim3A_290 : vector<16xi1>, vector<16xf32>
        %mul3A_308 = arith.mulf %mul3A_297, %get3A_286 : vector<16xf32>
        %mul3A_309 = arith.mulf %mul3A_298, %get3A_286 : vector<16xf32>
        %mul3A_310 = arith.mulf %mul3A_299, %get3A_286 : vector<16xf32>
        %add3A_311 = arith.addf %add3A_267, %select_n3A_292 : vector<16xf32>
        %add3A_312 = arith.addf %add3A_268, %select_n3A_294 : vector<16xf32>
        %add3A_313 = arith.addf %add3A_269, %select_n3A_296 : vector<16xf32>
        %add3A_314 = arith.addf %add3A_270, %get3A_286 : vector<16xf32>
        %add3A_315 = arith.addf %add3A_271, %mul3A_297 : vector<16xf32>
        %add3A_316 = arith.addf %add3A_272, %mul3A_298 : vector<16xf32>
        %add3A_317 = arith.addf %add3A_273, %mul3A_299 : vector<16xf32>
        %add3A_318 = arith.addf %add3A_274, %mul3A_300 : vector<16xf32>
        %add3A_319 = arith.addf %add3A_275, %mul3A_308 : vector<16xf32>
        %add3A_320 = arith.addf %add3A_276, %mul3A_309 : vector<16xf32>
        %add3A_321 = arith.addf %add3A_277, %mul3A_310 : vector<16xf32>
        %add3A_322 = arith.addf %add3A_278, %abs3A_305 : vector<16xf32>
        %add3A_323 = arith.addf %add3A_279, %select_n3A_307 : vector<16xf32>
        scf.yield %add3A_311, %add3A_312, %add3A_313, %add3A_314, %add3A_315, %add3A_316, %add3A_317, %add3A_318, %add3A_319, %add3A_320, %add3A_321, %add3A_322, %add3A_323 : vector<16xf32>, vector<16xf32>, vector<16xf32>, vector<16xf32>, vector<16xf32>, vector<16xf32>, vector<16xf32>, vector<16xf32>, vector<16xf32>, vector<16xf32>, vector<16xf32>, vector<16xf32>, vector<16xf32>
      }
      %scan3A_126 = arith.constant 784 : i32
      %add3A_127 = arith.constant 2 : i32
      %add3A_128 = arith.addi %mul3A_111, %add3A_127 : i32
      %mul3A_129 = arith.constant 12544 : i32
      %mul3A_130 = arith.muli %add3A_128, %mul3A_129 : i32
      %add3A_131 = arith.addi %mul3A_2, %mul3A_130 : i32
      %dma_start3A_132 = tpu.memref_slice %arg2[%add3A_131] : memref<3211264xf32, #tpu.memory_space<hbm>> -> memref<12544xf32, #tpu.memory_space<hbm>>
      %dma_start3A_133 = tpu.memref_slice %arg2[%add3A_131] : memref<3211264xf32, #tpu.memory_space<hbm>> -> memref<12544xf32, #tpu.memory_space<hbm>>
      tpu.enqueue_dma source(%dma_start3A_133 : memref<12544xf32, #tpu.memory_space<hbm>>) target(%arg5 : memref<12544xf32, #tpu.memory_space<vmem>>) target_semaphore(%arg9 : memref<!tpu.dma_semaphore, #tpu.memory_space<semaphore_mem>>)
      %dma_wait3A_134 = tpu.memref_slice %arg2[%mul3A_2] : memref<3211264xf32, #tpu.memory_space<hbm>> -> memref<12544xf32, #tpu.memory_space<hbm>>
      %dma_wait3A_135 = tpu.memref_slice %arg2[%mul3A_2] : memref<3211264xf32, #tpu.memory_space<hbm>> -> memref<12544xf32, #tpu.memory_space<hbm>>
      tpu.wait_dma2 semaphore(%arg10 : memref<!tpu.dma_semaphore, #tpu.memory_space<semaphore_mem>>) src(%dma_wait3A_135 : memref<12544xf32, #tpu.memory_space<hbm>>) dst(%arg6 : memref<12544xf32, #tpu.memory_space<vmem>>)
      %scan3A_136 = arith.constant 0 : i32
      %scan3A_137 = arith.constant 784 : i32
      %scan3A_138 = arith.addi %scan3A_136, %scan3A_137 : i32
      %scan3A_139 = arith.constant 4 : i32
      %scan3A_140:13 = scf.for %scan3A_142 = %scan3A_136 to %scan3A_138 step %scan3A_139 iter_args(%scan3A_143 = %scan3A_125#0, %scan3A_144 = %scan3A_125#1, %scan3A_145 = %scan3A_125#2, %scan3A_146 = %scan3A_125#3, %scan3A_147 = %scan3A_125#4, %scan3A_148 = %scan3A_125#5, %scan3A_149 = %scan3A_125#6, %scan3A_150 = %scan3A_125#7, %scan3A_151 = %scan3A_125#8, %scan3A_152 = %scan3A_125#9, %scan3A_153 = %scan3A_125#10, %scan3A_154 = %scan3A_125#11, %scan3A_155 = %scan3A_125#12) -> (vector<16xf32>, vector<16xf32>, vector<16xf32>, vector<16xf32>, vector<16xf32>, vector<16xf32>, vector<16xf32>, vector<16xf32>, vector<16xf32>, vector<16xf32>, vector<16xf32>, vector<16xf32>, vector<16xf32>)  : i32 {
        %mul3A_156 = arith.constant 16 : i32
        %mul3A_157 = arith.muli %scan3A_142, %mul3A_156 : i32
        %get3A_158 = arith.index_cast %mul3A_157 : i32 to index
        %get3A_159 = tpu.vector_load %arg6[%get3A_158] {strides = array<i32>} : memref<12544xf32, #tpu.memory_space<vmem>>, vector<16xf32>,
        %get3A_160 = vector.shape_cast %get3A_159 : vector<16xf32> to vector<16xf32>
        %broadcast_in_dim3A_161 = arith.constant 1.000000e+00 : f32
        %broadcast_in_dim3A_162 = vector.broadcast %broadcast_in_dim3A_161 : f32 to vector<16xf32>
        %broadcast_in_dim3A_163 = arith.constant 0.000000e+00 : f32
        %broadcast_in_dim3A_164 = vector.broadcast %broadcast_in_dim3A_163 : f32 to vector<16xf32>
        %gt3A = arith.cmpf ogt, %get3A_160, %mul3A_7 : vector<16xf32>
        %select_n3A = arith.select %gt3A, %broadcast_in_dim3A_162, %broadcast_in_dim3A_164 : vector<16xi1>, vector<16xf32>
        %ge3A = arith.cmpf oge, %get3A_160, %mul3A_10 : vector<16xf32>
        %select_n3A_165 = arith.select %ge3A, %broadcast_in_dim3A_162, %broadcast_in_dim3A_164 : vector<16xi1>, vector<16xf32>
        %gt3A_166 = arith.cmpf ogt, %get3A_160, %mul3A_13 : vector<16xf32>
        %select_n3A_167 = arith.select %gt3A_166, %broadcast_in_dim3A_162, %broadcast_in_dim3A_164 : vector<16xi1>, vector<16xf32>
        %mul3A_168 = arith.mulf %get3A_160, %select_n3A : vector<16xf32>
        %mul3A_169 = arith.mulf %get3A_160, %select_n3A_165 : vector<16xf32>
        %mul3A_170 = arith.mulf %get3A_160, %select_n3A_167 : vector<16xf32>
        %mul3A_171 = arith.mulf %get3A_160, %get3A_160 : vector<16xf32>
        %add3A_172 = arith.addf %select_n3A, %select_n3A_165 : vector<16xf32>
        %add3A_173 = arith.addf %add3A_172, %select_n3A_167 : vector<16xf32>
        %mul3A_174 = arith.mulf %get3A_4, %add3A_173 : vector<16xf32>
        %sub3A = arith.subf %get3A_160, %mul3A_174 : vector<16xf32>
        %abs3A = math.absf %sub3A : vector<16xf32>
        %lt3A = arith.cmpf olt, %abs3A, %mul3A_16 : vector<16xf32>
        %select_n3A_175 = arith.select %lt3A, %broadcast_in_dim3A_162, %broadcast_in_dim3A_164 : vector<16xi1>, vector<16xf32>
        %mul3A_176 = arith.mulf %mul3A_168, %get3A_160 : vector<16xf32>
        %mul3A_177 = arith.mulf %mul3A_169, %get3A_160 : vector<16xf32>
        %mul3A_178 = arith.mulf %mul3A_170, %get3A_160 : vector<16xf32>
        %add3A_179 = arith.addf %scan3A_143, %select_n3A : vector<16xf32>
        %add3A_180 = arith.addf %scan3A_144, %select_n3A_165 : vector<16xf32>
        %add3A_181 = arith.addf %scan3A_145, %select_n3A_167 : vector<16xf32>
        %add3A_182 = arith.addf %scan3A_146, %get3A_160 : vector<16xf32>
        %add3A_183 = arith.addf %scan3A_147, %mul3A_168 : vector<16xf32>
        %add3A_184 = arith.addf %scan3A_148, %mul3A_169 : vector<16xf32>
        %add3A_185 = arith.addf %scan3A_149, %mul3A_170 : vector<16xf32>
        %add3A_186 = arith.addf %scan3A_150, %mul3A_171 : vector<16xf32>
        %add3A_187 = arith.addf %scan3A_151, %mul3A_176 : vector<16xf32>
        %add3A_188 = arith.addf %scan3A_152, %mul3A_177 : vector<16xf32>
        %add3A_189 = arith.addf %scan3A_153, %mul3A_178 : vector<16xf32>
        %add3A_190 = arith.addf %scan3A_154, %abs3A : vector<16xf32>
        %add3A_191 = arith.addf %scan3A_155, %select_n3A_175 : vector<16xf32>
        %scan3A_192 = arith.constant 1 : i32
        %scan3A_193 = arith.addi %scan3A_142, %scan3A_192 : i32
        %mul3A_194 = arith.constant 16 : i32
        %mul3A_195 = arith.muli %scan3A_193, %mul3A_194 : i32
        %get3A_196 = arith.index_cast %mul3A_195 : i32 to index
        %get3A_197 = tpu.vector_load %arg6[%get3A_196] {strides = array<i32>} : memref<12544xf32, #tpu.memory_space<vmem>>, vector<16xf32>,
        %get3A_198 = vector.shape_cast %get3A_197 : vector<16xf32> to vector<16xf32>
        %broadcast_in_dim3A_199 = arith.constant 1.000000e+00 : f32
        %broadcast_in_dim3A_200 = vector.broadcast %broadcast_in_dim3A_199 : f32 to vector<16xf32>
        %broadcast_in_dim3A_201 = arith.constant 0.000000e+00 : f32
        %broadcast_in_dim3A_202 = vector.broadcast %broadcast_in_dim3A_201 : f32 to vector<16xf32>
        %gt3A_203 = arith.cmpf ogt, %get3A_198, %mul3A_7 : vector<16xf32>
        %select_n3A_204 = arith.select %gt3A_203, %broadcast_in_dim3A_200, %broadcast_in_dim3A_202 : vector<16xi1>, vector<16xf32>
        %ge3A_205 = arith.cmpf oge, %get3A_198, %mul3A_10 : vector<16xf32>
        %select_n3A_206 = arith.select %ge3A_205, %broadcast_in_dim3A_200, %broadcast_in_dim3A_202 : vector<16xi1>, vector<16xf32>
        %gt3A_207 = arith.cmpf ogt, %get3A_198, %mul3A_13 : vector<16xf32>
        %select_n3A_208 = arith.select %gt3A_207, %broadcast_in_dim3A_200, %broadcast_in_dim3A_202 : vector<16xi1>, vector<16xf32>
        %mul3A_209 = arith.mulf %get3A_198, %select_n3A_204 : vector<16xf32>
        %mul3A_210 = arith.mulf %get3A_198, %select_n3A_206 : vector<16xf32>
        %mul3A_211 = arith.mulf %get3A_198, %select_n3A_208 : vector<16xf32>
        %mul3A_212 = arith.mulf %get3A_198, %get3A_198 : vector<16xf32>
        %add3A_213 = arith.addf %select_n3A_204, %select_n3A_206 : vector<16xf32>
        %add3A_214 = arith.addf %add3A_213, %select_n3A_208 : vector<16xf32>
        %mul3A_215 = arith.mulf %get3A_4, %add3A_214 : vector<16xf32>
        %sub3A_216 = arith.subf %get3A_198, %mul3A_215 : vector<16xf32>
        %abs3A_217 = math.absf %sub3A_216 : vector<16xf32>
        %lt3A_218 = arith.cmpf olt, %abs3A_217, %mul3A_16 : vector<16xf32>
        %select_n3A_219 = arith.select %lt3A_218, %broadcast_in_dim3A_200, %broadcast_in_dim3A_202 : vector<16xi1>, vector<16xf32>
        %mul3A_220 = arith.mulf %mul3A_209, %get3A_198 : vector<16xf32>
        %mul3A_221 = arith.mulf %mul3A_210, %get3A_198 : vector<16xf32>
        %mul3A_222 = arith.mulf %mul3A_211, %get3A_198 : vector<16xf32>
        %add3A_223 = arith.addf %add3A_179, %select_n3A_204 : vector<16xf32>
        %add3A_224 = arith.addf %add3A_180, %select_n3A_206 : vector<16xf32>
        %add3A_225 = arith.addf %add3A_181, %select_n3A_208 : vector<16xf32>
        %add3A_226 = arith.addf %add3A_182, %get3A_198 : vector<16xf32>
        %add3A_227 = arith.addf %add3A_183, %mul3A_209 : vector<16xf32>
        %add3A_228 = arith.addf %add3A_184, %mul3A_210 : vector<16xf32>
        %add3A_229 = arith.addf %add3A_185, %mul3A_211 : vector<16xf32>
        %add3A_230 = arith.addf %add3A_186, %mul3A_212 : vector<16xf32>
        %add3A_231 = arith.addf %add3A_187, %mul3A_220 : vector<16xf32>
        %add3A_232 = arith.addf %add3A_188, %mul3A_221 : vector<16xf32>
        %add3A_233 = arith.addf %add3A_189, %mul3A_222 : vector<16xf32>
        %add3A_234 = arith.addf %add3A_190, %abs3A_217 : vector<16xf32>
        %add3A_235 = arith.addf %add3A_191, %select_n3A_219 : vector<16xf32>
        %scan3A_236 = arith.constant 2 : i32
        %scan3A_237 = arith.addi %scan3A_142, %scan3A_236 : i32
        %mul3A_238 = arith.constant 16 : i32
        %mul3A_239 = arith.muli %scan3A_237, %mul3A_238 : i32
        %get3A_240 = arith.index_cast %mul3A_239 : i32 to index
        %get3A_241 = tpu.vector_load %arg6[%get3A_240] {strides = array<i32>} : memref<12544xf32, #tpu.memory_space<vmem>>, vector<16xf32>,
        %get3A_242 = vector.shape_cast %get3A_241 : vector<16xf32> to vector<16xf32>
        %broadcast_in_dim3A_243 = arith.constant 1.000000e+00 : f32
        %broadcast_in_dim3A_244 = vector.broadcast %broadcast_in_dim3A_243 : f32 to vector<16xf32>
        %broadcast_in_dim3A_245 = arith.constant 0.000000e+00 : f32
        %broadcast_in_dim3A_246 = vector.broadcast %broadcast_in_dim3A_245 : f32 to vector<16xf32>
        %gt3A_247 = arith.cmpf ogt, %get3A_242, %mul3A_7 : vector<16xf32>
        %select_n3A_248 = arith.select %gt3A_247, %broadcast_in_dim3A_244, %broadcast_in_dim3A_246 : vector<16xi1>, vector<16xf32>
        %ge3A_249 = arith.cmpf oge, %get3A_242, %mul3A_10 : vector<16xf32>
        %select_n3A_250 = arith.select %ge3A_249, %broadcast_in_dim3A_244, %broadcast_in_dim3A_246 : vector<16xi1>, vector<16xf32>
        %gt3A_251 = arith.cmpf ogt, %get3A_242, %mul3A_13 : vector<16xf32>
        %select_n3A_252 = arith.select %gt3A_251, %broadcast_in_dim3A_244, %broadcast_in_dim3A_246 : vector<16xi1>, vector<16xf32>
        %mul3A_253 = arith.mulf %get3A_242, %select_n3A_248 : vector<16xf32>
        %mul3A_254 = arith.mulf %get3A_242, %select_n3A_250 : vector<16xf32>
        %mul3A_255 = arith.mulf %get3A_242, %select_n3A_252 : vector<16xf32>
        %mul3A_256 = arith.mulf %get3A_242, %get3A_242 : vector<16xf32>
        %add3A_257 = arith.addf %select_n3A_248, %select_n3A_250 : vector<16xf32>
        %add3A_258 = arith.addf %add3A_257, %select_n3A_252 : vector<16xf32>
        %mul3A_259 = arith.mulf %get3A_4, %add3A_258 : vector<16xf32>
        %sub3A_260 = arith.subf %get3A_242, %mul3A_259 : vector<16xf32>
        %abs3A_261 = math.absf %sub3A_260 : vector<16xf32>
        %lt3A_262 = arith.cmpf olt, %abs3A_261, %mul3A_16 : vector<16xf32>
        %select_n3A_263 = arith.select %lt3A_262, %broadcast_in_dim3A_244, %broadcast_in_dim3A_246 : vector<16xi1>, vector<16xf32>
        %mul3A_264 = arith.mulf %mul3A_253, %get3A_242 : vector<16xf32>
        %mul3A_265 = arith.mulf %mul3A_254, %get3A_242 : vector<16xf32>
        %mul3A_266 = arith.mulf %mul3A_255, %get3A_242 : vector<16xf32>
        %add3A_267 = arith.addf %add3A_223, %select_n3A_248 : vector<16xf32>
        %add3A_268 = arith.addf %add3A_224, %select_n3A_250 : vector<16xf32>
        %add3A_269 = arith.addf %add3A_225, %select_n3A_252 : vector<16xf32>
        %add3A_270 = arith.addf %add3A_226, %get3A_242 : vector<16xf32>
        %add3A_271 = arith.addf %add3A_227, %mul3A_253 : vector<16xf32>
        %add3A_272 = arith.addf %add3A_228, %mul3A_254 : vector<16xf32>
        %add3A_273 = arith.addf %add3A_229, %mul3A_255 : vector<16xf32>
        %add3A_274 = arith.addf %add3A_230, %mul3A_256 : vector<16xf32>
        %add3A_275 = arith.addf %add3A_231, %mul3A_264 : vector<16xf32>
        %add3A_276 = arith.addf %add3A_232, %mul3A_265 : vector<16xf32>
        %add3A_277 = arith.addf %add3A_233, %mul3A_266 : vector<16xf32>
        %add3A_278 = arith.addf %add3A_234, %abs3A_261 : vector<16xf32>
        %add3A_279 = arith.addf %add3A_235, %select_n3A_263 : vector<16xf32>
        %scan3A_280 = arith.constant 3 : i32
        %scan3A_281 = arith.addi %scan3A_142, %scan3A_280 : i32
        %mul3A_282 = arith.constant 16 : i32
        %mul3A_283 = arith.muli %scan3A_281, %mul3A_282 : i32
        %get3A_284 = arith.index_cast %mul3A_283 : i32 to index
        %get3A_285 = tpu.vector_load %arg6[%get3A_284] {strides = array<i32>} : memref<12544xf32, #tpu.memory_space<vmem>>, vector<16xf32>,
        %get3A_286 = vector.shape_cast %get3A_285 : vector<16xf32> to vector<16xf32>
        %broadcast_in_dim3A_287 = arith.constant 1.000000e+00 : f32
        %broadcast_in_dim3A_288 = vector.broadcast %broadcast_in_dim3A_287 : f32 to vector<16xf32>
        %broadcast_in_dim3A_289 = arith.constant 0.000000e+00 : f32
        %broadcast_in_dim3A_290 = vector.broadcast %broadcast_in_dim3A_289 : f32 to vector<16xf32>
        %gt3A_291 = arith.cmpf ogt, %get3A_286, %mul3A_7 : vector<16xf32>
        %select_n3A_292 = arith.select %gt3A_291, %broadcast_in_dim3A_288, %broadcast_in_dim3A_290 : vector<16xi1>, vector<16xf32>
        %ge3A_293 = arith.cmpf oge, %get3A_286, %mul3A_10 : vector<16xf32>
        %select_n3A_294 = arith.select %ge3A_293, %broadcast_in_dim3A_288, %broadcast_in_dim3A_290 : vector<16xi1>, vector<16xf32>
        %gt3A_295 = arith.cmpf ogt, %get3A_286, %mul3A_13 : vector<16xf32>
        %select_n3A_296 = arith.select %gt3A_295, %broadcast_in_dim3A_288, %broadcast_in_dim3A_290 : vector<16xi1>, vector<16xf32>
        %mul3A_297 = arith.mulf %get3A_286, %select_n3A_292 : vector<16xf32>
        %mul3A_298 = arith.mulf %get3A_286, %select_n3A_294 : vector<16xf32>
        %mul3A_299 = arith.mulf %get3A_286, %select_n3A_296 : vector<16xf32>
        %mul3A_300 = arith.mulf %get3A_286, %get3A_286 : vector<16xf32>
        %add3A_301 = arith.addf %select_n3A_292, %select_n3A_294 : vector<16xf32>
        %add3A_302 = arith.addf %add3A_301, %select_n3A_296 : vector<16xf32>
        %mul3A_303 = arith.mulf %get3A_4, %add3A_302 : vector<16xf32>
        %sub3A_304 = arith.subf %get3A_286, %mul3A_303 : vector<16xf32>
        %abs3A_305 = math.absf %sub3A_304 : vector<16xf32>
        %lt3A_306 = arith.cmpf olt, %abs3A_305, %mul3A_16 : vector<16xf32>
        %select_n3A_307 = arith.select %lt3A_306, %broadcast_in_dim3A_288, %broadcast_in_dim3A_290 : vector<16xi1>, vector<16xf32>
        %mul3A_308 = arith.mulf %mul3A_297, %get3A_286 : vector<16xf32>
        %mul3A_309 = arith.mulf %mul3A_298, %get3A_286 : vector<16xf32>
        %mul3A_310 = arith.mulf %mul3A_299, %get3A_286 : vector<16xf32>
        %add3A_311 = arith.addf %add3A_267, %select_n3A_292 : vector<16xf32>
        %add3A_312 = arith.addf %add3A_268, %select_n3A_294 : vector<16xf32>
        %add3A_313 = arith.addf %add3A_269, %select_n3A_296 : vector<16xf32>
        %add3A_314 = arith.addf %add3A_270, %get3A_286 : vector<16xf32>
        %add3A_315 = arith.addf %add3A_271, %mul3A_297 : vector<16xf32>
        %add3A_316 = arith.addf %add3A_272, %mul3A_298 : vector<16xf32>
        %add3A_317 = arith.addf %add3A_273, %mul3A_299 : vector<16xf32>
        %add3A_318 = arith.addf %add3A_274, %mul3A_300 : vector<16xf32>
        %add3A_319 = arith.addf %add3A_275, %mul3A_308 : vector<16xf32>
        %add3A_320 = arith.addf %add3A_276, %mul3A_309 : vector<16xf32>
        %add3A_321 = arith.addf %add3A_277, %mul3A_310 : vector<16xf32>
        %add3A_322 = arith.addf %add3A_278, %abs3A_305 : vector<16xf32>
        %add3A_323 = arith.addf %add3A_279, %select_n3A_307 : vector<16xf32>
        scf.yield %add3A_311, %add3A_312, %add3A_313, %add3A_314, %add3A_315, %add3A_316, %add3A_317, %add3A_318, %add3A_319, %add3A_320, %add3A_321, %add3A_322, %add3A_323 : vector<16xf32>, vector<16xf32>, vector<16xf32>, vector<16xf32>, vector<16xf32>, vector<16xf32>, vector<16xf32>, vector<16xf32>, vector<16xf32>, vector<16xf32>, vector<16xf32>, vector<16xf32>, vector<16xf32>
      }
      %scan3A_141 = arith.constant 784 : i32
      scf.yield %scan3A_140#0, %scan3A_140#1, %scan3A_140#2, %scan3A_140#3, %scan3A_140#4, %scan3A_140#5, %scan3A_140#6, %scan3A_140#7, %scan3A_140#8, %scan3A_140#9, %scan3A_140#10, %scan3A_140#11, %scan3A_140#12 : vector<16xf32>, vector<16xf32>, vector<16xf32>, vector<16xf32>, vector<16xf32>, vector<16xf32>, vector<16xf32>, vector<16xf32>, vector<16xf32>, vector<16xf32>, vector<16xf32>, vector<16xf32>, vector<16xf32>
    }
    %scan3A_25 = arith.constant 3 : i32
    %add3A_26 = arith.constant 87808 : i32
    %add3A_27 = arith.addi %mul3A_2, %add3A_26 : i32
    %dma_start3A_28 = tpu.memref_slice %arg2[%add3A_27] : memref<3211264xf32, #tpu.memory_space<hbm>> -> memref<12544xf32, #tpu.memory_space<hbm>>
    %dma_start3A_29 = tpu.memref_slice %arg2[%add3A_27] : memref<3211264xf32, #tpu.memory_space<hbm>> -> memref<12544xf32, #tpu.memory_space<hbm>>
    tpu.enqueue_dma source(%dma_start3A_29 : memref<12544xf32, #tpu.memory_space<hbm>>) target(%arg6 : memref<12544xf32, #tpu.memory_space<vmem>>) target_semaphore(%arg10 : memref<!tpu.dma_semaphore, #tpu.memory_space<semaphore_mem>>)
    %dma_wait3A = tpu.memref_slice %arg2[%mul3A_2] : memref<3211264xf32, #tpu.memory_space<hbm>> -> memref<12544xf32, #tpu.memory_space<hbm>>
    %dma_wait3A_30 = tpu.memref_slice %arg2[%mul3A_2] : memref<3211264xf32, #tpu.memory_space<hbm>> -> memref<12544xf32, #tpu.memory_space<hbm>>
    tpu.wait_dma2 semaphore(%arg9 : memref<!tpu.dma_semaphore, #tpu.memory_space<semaphore_mem>>) src(%dma_wait3A_30 : memref<12544xf32, #tpu.memory_space<hbm>>) dst(%arg5 : memref<12544xf32, #tpu.memory_space<vmem>>)
    %scan3A_31 = arith.constant 0 : i32
    %scan3A_32 = arith.constant 784 : i32
    %scan3A_33 = arith.addi %scan3A_31, %scan3A_32 : i32
    %scan3A_34 = arith.constant 4 : i32
    %scan3A_35:13 = scf.for %scan3A_96 = %scan3A_31 to %scan3A_33 step %scan3A_34 iter_args(%scan3A_97 = %scan3A_24#0, %scan3A_98 = %scan3A_24#1, %scan3A_99 = %scan3A_24#2, %scan3A_100 = %scan3A_24#3, %scan3A_101 = %scan3A_24#4, %scan3A_102 = %scan3A_24#5, %scan3A_103 = %scan3A_24#6, %scan3A_104 = %scan3A_24#7, %scan3A_105 = %scan3A_24#8, %scan3A_106 = %scan3A_24#9, %scan3A_107 = %scan3A_24#10, %scan3A_108 = %scan3A_24#11, %scan3A_109 = %scan3A_24#12) -> (vector<16xf32>, vector<16xf32>, vector<16xf32>, vector<16xf32>, vector<16xf32>, vector<16xf32>, vector<16xf32>, vector<16xf32>, vector<16xf32>, vector<16xf32>, vector<16xf32>, vector<16xf32>, vector<16xf32>)  : i32 {
      %mul3A_110 = arith.constant 16 : i32
      %mul3A_111 = arith.muli %scan3A_96, %mul3A_110 : i32
      %get3A_112 = arith.index_cast %mul3A_111 : i32 to index
      %get3A_113 = tpu.vector_load %arg5[%get3A_112] {strides = array<i32>} : memref<12544xf32, #tpu.memory_space<vmem>>, vector<16xf32>,
      %get3A_114 = vector.shape_cast %get3A_113 : vector<16xf32> to vector<16xf32>
      %broadcast_in_dim3A_115 = arith.constant 1.000000e+00 : f32
      %broadcast_in_dim3A_116 = vector.broadcast %broadcast_in_dim3A_115 : f32 to vector<16xf32>
      %broadcast_in_dim3A_117 = arith.constant 0.000000e+00 : f32
      %broadcast_in_dim3A_118 = vector.broadcast %broadcast_in_dim3A_117 : f32 to vector<16xf32>
      %gt3A = arith.cmpf ogt, %get3A_114, %mul3A_7 : vector<16xf32>
      %select_n3A = arith.select %gt3A, %broadcast_in_dim3A_116, %broadcast_in_dim3A_118 : vector<16xi1>, vector<16xf32>
      %ge3A = arith.cmpf oge, %get3A_114, %mul3A_10 : vector<16xf32>
      %select_n3A_119 = arith.select %ge3A, %broadcast_in_dim3A_116, %broadcast_in_dim3A_118 : vector<16xi1>, vector<16xf32>
      %gt3A_120 = arith.cmpf ogt, %get3A_114, %mul3A_13 : vector<16xf32>
      %select_n3A_121 = arith.select %gt3A_120, %broadcast_in_dim3A_116, %broadcast_in_dim3A_118 : vector<16xi1>, vector<16xf32>
      %mul3A_122 = arith.mulf %get3A_114, %select_n3A : vector<16xf32>
      %mul3A_123 = arith.mulf %get3A_114, %select_n3A_119 : vector<16xf32>
      %mul3A_124 = arith.mulf %get3A_114, %select_n3A_121 : vector<16xf32>
      %mul3A_125 = arith.mulf %get3A_114, %get3A_114 : vector<16xf32>
      %add3A_126 = arith.addf %select_n3A, %select_n3A_119 : vector<16xf32>
      %add3A_127 = arith.addf %add3A_126, %select_n3A_121 : vector<16xf32>
      %mul3A_128 = arith.mulf %get3A_4, %add3A_127 : vector<16xf32>
      %sub3A = arith.subf %get3A_114, %mul3A_128 : vector<16xf32>
      %abs3A = math.absf %sub3A : vector<16xf32>
      %lt3A = arith.cmpf olt, %abs3A, %mul3A_16 : vector<16xf32>
      %select_n3A_129 = arith.select %lt3A, %broadcast_in_dim3A_116, %broadcast_in_dim3A_118 : vector<16xi1>, vector<16xf32>
      %mul3A_130 = arith.mulf %mul3A_122, %get3A_114 : vector<16xf32>
      %mul3A_131 = arith.mulf %mul3A_123, %get3A_114 : vector<16xf32>
      %mul3A_132 = arith.mulf %mul3A_124, %get3A_114 : vector<16xf32>
      %add3A_133 = arith.addf %scan3A_97, %select_n3A : vector<16xf32>
      %add3A_134 = arith.addf %scan3A_98, %select_n3A_119 : vector<16xf32>
      %add3A_135 = arith.addf %scan3A_99, %select_n3A_121 : vector<16xf32>
      %add3A_136 = arith.addf %scan3A_100, %get3A_114 : vector<16xf32>
      %add3A_137 = arith.addf %scan3A_101, %mul3A_122 : vector<16xf32>
      %add3A_138 = arith.addf %scan3A_102, %mul3A_123 : vector<16xf32>
      %add3A_139 = arith.addf %scan3A_103, %mul3A_124 : vector<16xf32>
      %add3A_140 = arith.addf %scan3A_104, %mul3A_125 : vector<16xf32>
      %add3A_141 = arith.addf %scan3A_105, %mul3A_130 : vector<16xf32>
      %add3A_142 = arith.addf %scan3A_106, %mul3A_131 : vector<16xf32>
      %add3A_143 = arith.addf %scan3A_107, %mul3A_132 : vector<16xf32>
      %add3A_144 = arith.addf %scan3A_108, %abs3A : vector<16xf32>
      %add3A_145 = arith.addf %scan3A_109, %select_n3A_129 : vector<16xf32>
      %scan3A_146 = arith.constant 1 : i32
      %scan3A_147 = arith.addi %scan3A_96, %scan3A_146 : i32
      %mul3A_148 = arith.constant 16 : i32
      %mul3A_149 = arith.muli %scan3A_147, %mul3A_148 : i32
      %get3A_150 = arith.index_cast %mul3A_149 : i32 to index
      %get3A_151 = tpu.vector_load %arg5[%get3A_150] {strides = array<i32>} : memref<12544xf32, #tpu.memory_space<vmem>>, vector<16xf32>,
      %get3A_152 = vector.shape_cast %get3A_151 : vector<16xf32> to vector<16xf32>
      %broadcast_in_dim3A_153 = arith.constant 1.000000e+00 : f32
      %broadcast_in_dim3A_154 = vector.broadcast %broadcast_in_dim3A_153 : f32 to vector<16xf32>
      %broadcast_in_dim3A_155 = arith.constant 0.000000e+00 : f32
      %broadcast_in_dim3A_156 = vector.broadcast %broadcast_in_dim3A_155 : f32 to vector<16xf32>
      %gt3A_157 = arith.cmpf ogt, %get3A_152, %mul3A_7 : vector<16xf32>
      %select_n3A_158 = arith.select %gt3A_157, %broadcast_in_dim3A_154, %broadcast_in_dim3A_156 : vector<16xi1>, vector<16xf32>
      %ge3A_159 = arith.cmpf oge, %get3A_152, %mul3A_10 : vector<16xf32>
      %select_n3A_160 = arith.select %ge3A_159, %broadcast_in_dim3A_154, %broadcast_in_dim3A_156 : vector<16xi1>, vector<16xf32>
      %gt3A_161 = arith.cmpf ogt, %get3A_152, %mul3A_13 : vector<16xf32>
      %select_n3A_162 = arith.select %gt3A_161, %broadcast_in_dim3A_154, %broadcast_in_dim3A_156 : vector<16xi1>, vector<16xf32>
      %mul3A_163 = arith.mulf %get3A_152, %select_n3A_158 : vector<16xf32>
      %mul3A_164 = arith.mulf %get3A_152, %select_n3A_160 : vector<16xf32>
      %mul3A_165 = arith.mulf %get3A_152, %select_n3A_162 : vector<16xf32>
      %mul3A_166 = arith.mulf %get3A_152, %get3A_152 : vector<16xf32>
      %add3A_167 = arith.addf %select_n3A_158, %select_n3A_160 : vector<16xf32>
      %add3A_168 = arith.addf %add3A_167, %select_n3A_162 : vector<16xf32>
      %mul3A_169 = arith.mulf %get3A_4, %add3A_168 : vector<16xf32>
      %sub3A_170 = arith.subf %get3A_152, %mul3A_169 : vector<16xf32>
      %abs3A_171 = math.absf %sub3A_170 : vector<16xf32>
      %lt3A_172 = arith.cmpf olt, %abs3A_171, %mul3A_16 : vector<16xf32>
      %select_n3A_173 = arith.select %lt3A_172, %broadcast_in_dim3A_154, %broadcast_in_dim3A_156 : vector<16xi1>, vector<16xf32>
      %mul3A_174 = arith.mulf %mul3A_163, %get3A_152 : vector<16xf32>
      %mul3A_175 = arith.mulf %mul3A_164, %get3A_152 : vector<16xf32>
      %mul3A_176 = arith.mulf %mul3A_165, %get3A_152 : vector<16xf32>
      %add3A_177 = arith.addf %add3A_133, %select_n3A_158 : vector<16xf32>
      %add3A_178 = arith.addf %add3A_134, %select_n3A_160 : vector<16xf32>
      %add3A_179 = arith.addf %add3A_135, %select_n3A_162 : vector<16xf32>
      %add3A_180 = arith.addf %add3A_136, %get3A_152 : vector<16xf32>
      %add3A_181 = arith.addf %add3A_137, %mul3A_163 : vector<16xf32>
      %add3A_182 = arith.addf %add3A_138, %mul3A_164 : vector<16xf32>
      %add3A_183 = arith.addf %add3A_139, %mul3A_165 : vector<16xf32>
      %add3A_184 = arith.addf %add3A_140, %mul3A_166 : vector<16xf32>
      %add3A_185 = arith.addf %add3A_141, %mul3A_174 : vector<16xf32>
      %add3A_186 = arith.addf %add3A_142, %mul3A_175 : vector<16xf32>
      %add3A_187 = arith.addf %add3A_143, %mul3A_176 : vector<16xf32>
      %add3A_188 = arith.addf %add3A_144, %abs3A_171 : vector<16xf32>
      %add3A_189 = arith.addf %add3A_145, %select_n3A_173 : vector<16xf32>
      %scan3A_190 = arith.constant 2 : i32
      %scan3A_191 = arith.addi %scan3A_96, %scan3A_190 : i32
      %mul3A_192 = arith.constant 16 : i32
      %mul3A_193 = arith.muli %scan3A_191, %mul3A_192 : i32
      %get3A_194 = arith.index_cast %mul3A_193 : i32 to index
      %get3A_195 = tpu.vector_load %arg5[%get3A_194] {strides = array<i32>} : memref<12544xf32, #tpu.memory_space<vmem>>, vector<16xf32>,
      %get3A_196 = vector.shape_cast %get3A_195 : vector<16xf32> to vector<16xf32>
      %broadcast_in_dim3A_197 = arith.constant 1.000000e+00 : f32
      %broadcast_in_dim3A_198 = vector.broadcast %broadcast_in_dim3A_197 : f32 to vector<16xf32>
      %broadcast_in_dim3A_199 = arith.constant 0.000000e+00 : f32
      %broadcast_in_dim3A_200 = vector.broadcast %broadcast_in_dim3A_199 : f32 to vector<16xf32>
      %gt3A_201 = arith.cmpf ogt, %get3A_196, %mul3A_7 : vector<16xf32>
      %select_n3A_202 = arith.select %gt3A_201, %broadcast_in_dim3A_198, %broadcast_in_dim3A_200 : vector<16xi1>, vector<16xf32>
      %ge3A_203 = arith.cmpf oge, %get3A_196, %mul3A_10 : vector<16xf32>
      %select_n3A_204 = arith.select %ge3A_203, %broadcast_in_dim3A_198, %broadcast_in_dim3A_200 : vector<16xi1>, vector<16xf32>
      %gt3A_205 = arith.cmpf ogt, %get3A_196, %mul3A_13 : vector<16xf32>
      %select_n3A_206 = arith.select %gt3A_205, %broadcast_in_dim3A_198, %broadcast_in_dim3A_200 : vector<16xi1>, vector<16xf32>
      %mul3A_207 = arith.mulf %get3A_196, %select_n3A_202 : vector<16xf32>
      %mul3A_208 = arith.mulf %get3A_196, %select_n3A_204 : vector<16xf32>
      %mul3A_209 = arith.mulf %get3A_196, %select_n3A_206 : vector<16xf32>
      %mul3A_210 = arith.mulf %get3A_196, %get3A_196 : vector<16xf32>
      %add3A_211 = arith.addf %select_n3A_202, %select_n3A_204 : vector<16xf32>
      %add3A_212 = arith.addf %add3A_211, %select_n3A_206 : vector<16xf32>
      %mul3A_213 = arith.mulf %get3A_4, %add3A_212 : vector<16xf32>
      %sub3A_214 = arith.subf %get3A_196, %mul3A_213 : vector<16xf32>
      %abs3A_215 = math.absf %sub3A_214 : vector<16xf32>
      %lt3A_216 = arith.cmpf olt, %abs3A_215, %mul3A_16 : vector<16xf32>
      %select_n3A_217 = arith.select %lt3A_216, %broadcast_in_dim3A_198, %broadcast_in_dim3A_200 : vector<16xi1>, vector<16xf32>
      %mul3A_218 = arith.mulf %mul3A_207, %get3A_196 : vector<16xf32>
      %mul3A_219 = arith.mulf %mul3A_208, %get3A_196 : vector<16xf32>
      %mul3A_220 = arith.mulf %mul3A_209, %get3A_196 : vector<16xf32>
      %add3A_221 = arith.addf %add3A_177, %select_n3A_202 : vector<16xf32>
      %add3A_222 = arith.addf %add3A_178, %select_n3A_204 : vector<16xf32>
      %add3A_223 = arith.addf %add3A_179, %select_n3A_206 : vector<16xf32>
      %add3A_224 = arith.addf %add3A_180, %get3A_196 : vector<16xf32>
      %add3A_225 = arith.addf %add3A_181, %mul3A_207 : vector<16xf32>
      %add3A_226 = arith.addf %add3A_182, %mul3A_208 : vector<16xf32>
      %add3A_227 = arith.addf %add3A_183, %mul3A_209 : vector<16xf32>
      %add3A_228 = arith.addf %add3A_184, %mul3A_210 : vector<16xf32>
      %add3A_229 = arith.addf %add3A_185, %mul3A_218 : vector<16xf32>
      %add3A_230 = arith.addf %add3A_186, %mul3A_219 : vector<16xf32>
      %add3A_231 = arith.addf %add3A_187, %mul3A_220 : vector<16xf32>
      %add3A_232 = arith.addf %add3A_188, %abs3A_215 : vector<16xf32>
      %add3A_233 = arith.addf %add3A_189, %select_n3A_217 : vector<16xf32>
      %scan3A_234 = arith.constant 3 : i32
      %scan3A_235 = arith.addi %scan3A_96, %scan3A_234 : i32
      %mul3A_236 = arith.constant 16 : i32
      %mul3A_237 = arith.muli %scan3A_235, %mul3A_236 : i32
      %get3A_238 = arith.index_cast %mul3A_237 : i32 to index
      %get3A_239 = tpu.vector_load %arg5[%get3A_238] {strides = array<i32>} : memref<12544xf32, #tpu.memory_space<vmem>>, vector<16xf32>,
      %get3A_240 = vector.shape_cast %get3A_239 : vector<16xf32> to vector<16xf32>
      %broadcast_in_dim3A_241 = arith.constant 1.000000e+00 : f32
      %broadcast_in_dim3A_242 = vector.broadcast %broadcast_in_dim3A_241 : f32 to vector<16xf32>
      %broadcast_in_dim3A_243 = arith.constant 0.000000e+00 : f32
      %broadcast_in_dim3A_244 = vector.broadcast %broadcast_in_dim3A_243 : f32 to vector<16xf32>
      %gt3A_245 = arith.cmpf ogt, %get3A_240, %mul3A_7 : vector<16xf32>
      %select_n3A_246 = arith.select %gt3A_245, %broadcast_in_dim3A_242, %broadcast_in_dim3A_244 : vector<16xi1>, vector<16xf32>
      %ge3A_247 = arith.cmpf oge, %get3A_240, %mul3A_10 : vector<16xf32>
      %select_n3A_248 = arith.select %ge3A_247, %broadcast_in_dim3A_242, %broadcast_in_dim3A_244 : vector<16xi1>, vector<16xf32>
      %gt3A_249 = arith.cmpf ogt, %get3A_240, %mul3A_13 : vector<16xf32>
      %select_n3A_250 = arith.select %gt3A_249, %broadcast_in_dim3A_242, %broadcast_in_dim3A_244 : vector<16xi1>, vector<16xf32>
      %mul3A_251 = arith.mulf %get3A_240, %select_n3A_246 : vector<16xf32>
      %mul3A_252 = arith.mulf %get3A_240, %select_n3A_248 : vector<16xf32>
      %mul3A_253 = arith.mulf %get3A_240, %select_n3A_250 : vector<16xf32>
      %mul3A_254 = arith.mulf %get3A_240, %get3A_240 : vector<16xf32>
      %add3A_255 = arith.addf %select_n3A_246, %select_n3A_248 : vector<16xf32>
      %add3A_256 = arith.addf %add3A_255, %select_n3A_250 : vector<16xf32>
      %mul3A_257 = arith.mulf %get3A_4, %add3A_256 : vector<16xf32>
      %sub3A_258 = arith.subf %get3A_240, %mul3A_257 : vector<16xf32>
      %abs3A_259 = math.absf %sub3A_258 : vector<16xf32>
      %lt3A_260 = arith.cmpf olt, %abs3A_259, %mul3A_16 : vector<16xf32>
      %select_n3A_261 = arith.select %lt3A_260, %broadcast_in_dim3A_242, %broadcast_in_dim3A_244 : vector<16xi1>, vector<16xf32>
      %mul3A_262 = arith.mulf %mul3A_251, %get3A_240 : vector<16xf32>
      %mul3A_263 = arith.mulf %mul3A_252, %get3A_240 : vector<16xf32>
      %mul3A_264 = arith.mulf %mul3A_253, %get3A_240 : vector<16xf32>
      %add3A_265 = arith.addf %add3A_221, %select_n3A_246 : vector<16xf32>
      %add3A_266 = arith.addf %add3A_222, %select_n3A_248 : vector<16xf32>
      %add3A_267 = arith.addf %add3A_223, %select_n3A_250 : vector<16xf32>
      %add3A_268 = arith.addf %add3A_224, %get3A_240 : vector<16xf32>
      %add3A_269 = arith.addf %add3A_225, %mul3A_251 : vector<16xf32>
      %add3A_270 = arith.addf %add3A_226, %mul3A_252 : vector<16xf32>
      %add3A_271 = arith.addf %add3A_227, %mul3A_253 : vector<16xf32>
      %add3A_272 = arith.addf %add3A_228, %mul3A_254 : vector<16xf32>
      %add3A_273 = arith.addf %add3A_229, %mul3A_262 : vector<16xf32>
      %add3A_274 = arith.addf %add3A_230, %mul3A_263 : vector<16xf32>
      %add3A_275 = arith.addf %add3A_231, %mul3A_264 : vector<16xf32>
      %add3A_276 = arith.addf %add3A_232, %abs3A_259 : vector<16xf32>
      %add3A_277 = arith.addf %add3A_233, %select_n3A_261 : vector<16xf32>
      scf.yield %add3A_265, %add3A_266, %add3A_267, %add3A_268, %add3A_269, %add3A_270, %add3A_271, %add3A_272, %add3A_273, %add3A_274, %add3A_275, %add3A_276, %add3A_277 : vector<16xf32>, vector<16xf32>, vector<16xf32>, vector<16xf32>, vector<16xf32>, vector<16xf32>, vector<16xf32>, vector<16xf32>, vector<16xf32>, vector<16xf32>, vector<16xf32>, vector<16xf32>, vector<16xf32>
    }
    %scan3A_36 = arith.constant 784 : i32
    %dma_wait3A_37 = tpu.memref_slice %arg2[%mul3A_2] : memref<3211264xf32, #tpu.memory_space<hbm>> -> memref<12544xf32, #tpu.memory_space<hbm>>
    %dma_wait3A_38 = tpu.memref_slice %arg2[%mul3A_2] : memref<3211264xf32, #tpu.memory_space<hbm>> -> memref<12544xf32, #tpu.memory_space<hbm>>
    tpu.wait_dma2 semaphore(%arg10 : memref<!tpu.dma_semaphore, #tpu.memory_space<semaphore_mem>>) src(%dma_wait3A_38 : memref<12544xf32, #tpu.memory_space<hbm>>) dst(%arg6 : memref<12544xf32, #tpu.memory_space<vmem>>)
    %scan3A_39 = arith.constant 0 : i32
    %scan3A_40 = arith.constant 784 : i32
    %scan3A_41 = arith.addi %scan3A_39, %scan3A_40 : i32
    %scan3A_42 = arith.constant 4 : i32
    %scan3A_43:13 = scf.for %scan3A_96 = %scan3A_39 to %scan3A_41 step %scan3A_42 iter_args(%scan3A_97 = %scan3A_35#0, %scan3A_98 = %scan3A_35#1, %scan3A_99 = %scan3A_35#2, %scan3A_100 = %scan3A_35#3, %scan3A_101 = %scan3A_35#4, %scan3A_102 = %scan3A_35#5, %scan3A_103 = %scan3A_35#6, %scan3A_104 = %scan3A_35#7, %scan3A_105 = %scan3A_35#8, %scan3A_106 = %scan3A_35#9, %scan3A_107 = %scan3A_35#10, %scan3A_108 = %scan3A_35#11, %scan3A_109 = %scan3A_35#12) -> (vector<16xf32>, vector<16xf32>, vector<16xf32>, vector<16xf32>, vector<16xf32>, vector<16xf32>, vector<16xf32>, vector<16xf32>, vector<16xf32>, vector<16xf32>, vector<16xf32>, vector<16xf32>, vector<16xf32>)  : i32 {
      %mul3A_110 = arith.constant 16 : i32
      %mul3A_111 = arith.muli %scan3A_96, %mul3A_110 : i32
      %get3A_112 = arith.index_cast %mul3A_111 : i32 to index
      %get3A_113 = tpu.vector_load %arg6[%get3A_112] {strides = array<i32>} : memref<12544xf32, #tpu.memory_space<vmem>>, vector<16xf32>,
      %get3A_114 = vector.shape_cast %get3A_113 : vector<16xf32> to vector<16xf32>
      %broadcast_in_dim3A_115 = arith.constant 1.000000e+00 : f32
      %broadcast_in_dim3A_116 = vector.broadcast %broadcast_in_dim3A_115 : f32 to vector<16xf32>
      %broadcast_in_dim3A_117 = arith.constant 0.000000e+00 : f32
      %broadcast_in_dim3A_118 = vector.broadcast %broadcast_in_dim3A_117 : f32 to vector<16xf32>
      %gt3A = arith.cmpf ogt, %get3A_114, %mul3A_7 : vector<16xf32>
      %select_n3A = arith.select %gt3A, %broadcast_in_dim3A_116, %broadcast_in_dim3A_118 : vector<16xi1>, vector<16xf32>
      %ge3A = arith.cmpf oge, %get3A_114, %mul3A_10 : vector<16xf32>
      %select_n3A_119 = arith.select %ge3A, %broadcast_in_dim3A_116, %broadcast_in_dim3A_118 : vector<16xi1>, vector<16xf32>
      %gt3A_120 = arith.cmpf ogt, %get3A_114, %mul3A_13 : vector<16xf32>
      %select_n3A_121 = arith.select %gt3A_120, %broadcast_in_dim3A_116, %broadcast_in_dim3A_118 : vector<16xi1>, vector<16xf32>
      %mul3A_122 = arith.mulf %get3A_114, %select_n3A : vector<16xf32>
      %mul3A_123 = arith.mulf %get3A_114, %select_n3A_119 : vector<16xf32>
      %mul3A_124 = arith.mulf %get3A_114, %select_n3A_121 : vector<16xf32>
      %mul3A_125 = arith.mulf %get3A_114, %get3A_114 : vector<16xf32>
      %add3A_126 = arith.addf %select_n3A, %select_n3A_119 : vector<16xf32>
      %add3A_127 = arith.addf %add3A_126, %select_n3A_121 : vector<16xf32>
      %mul3A_128 = arith.mulf %get3A_4, %add3A_127 : vector<16xf32>
      %sub3A = arith.subf %get3A_114, %mul3A_128 : vector<16xf32>
      %abs3A = math.absf %sub3A : vector<16xf32>
      %lt3A = arith.cmpf olt, %abs3A, %mul3A_16 : vector<16xf32>
      %select_n3A_129 = arith.select %lt3A, %broadcast_in_dim3A_116, %broadcast_in_dim3A_118 : vector<16xi1>, vector<16xf32>
      %mul3A_130 = arith.mulf %mul3A_122, %get3A_114 : vector<16xf32>
      %mul3A_131 = arith.mulf %mul3A_123, %get3A_114 : vector<16xf32>
      %mul3A_132 = arith.mulf %mul3A_124, %get3A_114 : vector<16xf32>
      %add3A_133 = arith.addf %scan3A_97, %select_n3A : vector<16xf32>
      %add3A_134 = arith.addf %scan3A_98, %select_n3A_119 : vector<16xf32>
      %add3A_135 = arith.addf %scan3A_99, %select_n3A_121 : vector<16xf32>
      %add3A_136 = arith.addf %scan3A_100, %get3A_114 : vector<16xf32>
      %add3A_137 = arith.addf %scan3A_101, %mul3A_122 : vector<16xf32>
      %add3A_138 = arith.addf %scan3A_102, %mul3A_123 : vector<16xf32>
      %add3A_139 = arith.addf %scan3A_103, %mul3A_124 : vector<16xf32>
      %add3A_140 = arith.addf %scan3A_104, %mul3A_125 : vector<16xf32>
      %add3A_141 = arith.addf %scan3A_105, %mul3A_130 : vector<16xf32>
      %add3A_142 = arith.addf %scan3A_106, %mul3A_131 : vector<16xf32>
      %add3A_143 = arith.addf %scan3A_107, %mul3A_132 : vector<16xf32>
      %add3A_144 = arith.addf %scan3A_108, %abs3A : vector<16xf32>
      %add3A_145 = arith.addf %scan3A_109, %select_n3A_129 : vector<16xf32>
      %scan3A_146 = arith.constant 1 : i32
      %scan3A_147 = arith.addi %scan3A_96, %scan3A_146 : i32
      %mul3A_148 = arith.constant 16 : i32
      %mul3A_149 = arith.muli %scan3A_147, %mul3A_148 : i32
      %get3A_150 = arith.index_cast %mul3A_149 : i32 to index
      %get3A_151 = tpu.vector_load %arg6[%get3A_150] {strides = array<i32>} : memref<12544xf32, #tpu.memory_space<vmem>>, vector<16xf32>,
      %get3A_152 = vector.shape_cast %get3A_151 : vector<16xf32> to vector<16xf32>
      %broadcast_in_dim3A_153 = arith.constant 1.000000e+00 : f32
      %broadcast_in_dim3A_154 = vector.broadcast %broadcast_in_dim3A_153 : f32 to vector<16xf32>
      %broadcast_in_dim3A_155 = arith.constant 0.000000e+00 : f32
      %broadcast_in_dim3A_156 = vector.broadcast %broadcast_in_dim3A_155 : f32 to vector<16xf32>
      %gt3A_157 = arith.cmpf ogt, %get3A_152, %mul3A_7 : vector<16xf32>
      %select_n3A_158 = arith.select %gt3A_157, %broadcast_in_dim3A_154, %broadcast_in_dim3A_156 : vector<16xi1>, vector<16xf32>
      %ge3A_159 = arith.cmpf oge, %get3A_152, %mul3A_10 : vector<16xf32>
      %select_n3A_160 = arith.select %ge3A_159, %broadcast_in_dim3A_154, %broadcast_in_dim3A_156 : vector<16xi1>, vector<16xf32>
      %gt3A_161 = arith.cmpf ogt, %get3A_152, %mul3A_13 : vector<16xf32>
      %select_n3A_162 = arith.select %gt3A_161, %broadcast_in_dim3A_154, %broadcast_in_dim3A_156 : vector<16xi1>, vector<16xf32>
      %mul3A_163 = arith.mulf %get3A_152, %select_n3A_158 : vector<16xf32>
      %mul3A_164 = arith.mulf %get3A_152, %select_n3A_160 : vector<16xf32>
      %mul3A_165 = arith.mulf %get3A_152, %select_n3A_162 : vector<16xf32>
      %mul3A_166 = arith.mulf %get3A_152, %get3A_152 : vector<16xf32>
      %add3A_167 = arith.addf %select_n3A_158, %select_n3A_160 : vector<16xf32>
      %add3A_168 = arith.addf %add3A_167, %select_n3A_162 : vector<16xf32>
      %mul3A_169 = arith.mulf %get3A_4, %add3A_168 : vector<16xf32>
      %sub3A_170 = arith.subf %get3A_152, %mul3A_169 : vector<16xf32>
      %abs3A_171 = math.absf %sub3A_170 : vector<16xf32>
      %lt3A_172 = arith.cmpf olt, %abs3A_171, %mul3A_16 : vector<16xf32>
      %select_n3A_173 = arith.select %lt3A_172, %broadcast_in_dim3A_154, %broadcast_in_dim3A_156 : vector<16xi1>, vector<16xf32>
      %mul3A_174 = arith.mulf %mul3A_163, %get3A_152 : vector<16xf32>
      %mul3A_175 = arith.mulf %mul3A_164, %get3A_152 : vector<16xf32>
      %mul3A_176 = arith.mulf %mul3A_165, %get3A_152 : vector<16xf32>
      %add3A_177 = arith.addf %add3A_133, %select_n3A_158 : vector<16xf32>
      %add3A_178 = arith.addf %add3A_134, %select_n3A_160 : vector<16xf32>
      %add3A_179 = arith.addf %add3A_135, %select_n3A_162 : vector<16xf32>
      %add3A_180 = arith.addf %add3A_136, %get3A_152 : vector<16xf32>
      %add3A_181 = arith.addf %add3A_137, %mul3A_163 : vector<16xf32>
      %add3A_182 = arith.addf %add3A_138, %mul3A_164 : vector<16xf32>
      %add3A_183 = arith.addf %add3A_139, %mul3A_165 : vector<16xf32>
      %add3A_184 = arith.addf %add3A_140, %mul3A_166 : vector<16xf32>
      %add3A_185 = arith.addf %add3A_141, %mul3A_174 : vector<16xf32>
      %add3A_186 = arith.addf %add3A_142, %mul3A_175 : vector<16xf32>
      %add3A_187 = arith.addf %add3A_143, %mul3A_176 : vector<16xf32>
      %add3A_188 = arith.addf %add3A_144, %abs3A_171 : vector<16xf32>
      %add3A_189 = arith.addf %add3A_145, %select_n3A_173 : vector<16xf32>
      %scan3A_190 = arith.constant 2 : i32
      %scan3A_191 = arith.addi %scan3A_96, %scan3A_190 : i32
      %mul3A_192 = arith.constant 16 : i32
      %mul3A_193 = arith.muli %scan3A_191, %mul3A_192 : i32
      %get3A_194 = arith.index_cast %mul3A_193 : i32 to index
      %get3A_195 = tpu.vector_load %arg6[%get3A_194] {strides = array<i32>} : memref<12544xf32, #tpu.memory_space<vmem>>, vector<16xf32>,
      %get3A_196 = vector.shape_cast %get3A_195 : vector<16xf32> to vector<16xf32>
      %broadcast_in_dim3A_197 = arith.constant 1.000000e+00 : f32
      %broadcast_in_dim3A_198 = vector.broadcast %broadcast_in_dim3A_197 : f32 to vector<16xf32>
      %broadcast_in_dim3A_199 = arith.constant 0.000000e+00 : f32
      %broadcast_in_dim3A_200 = vector.broadcast %broadcast_in_dim3A_199 : f32 to vector<16xf32>
      %gt3A_201 = arith.cmpf ogt, %get3A_196, %mul3A_7 : vector<16xf32>
      %select_n3A_202 = arith.select %gt3A_201, %broadcast_in_dim3A_198, %broadcast_in_dim3A_200 : vector<16xi1>, vector<16xf32>
      %ge3A_203 = arith.cmpf oge, %get3A_196, %mul3A_10 : vector<16xf32>
      %select_n3A_204 = arith.select %ge3A_203, %broadcast_in_dim3A_198, %broadcast_in_dim3A_200 : vector<16xi1>, vector<16xf32>
      %gt3A_205 = arith.cmpf ogt, %get3A_196, %mul3A_13 : vector<16xf32>
      %select_n3A_206 = arith.select %gt3A_205, %broadcast_in_dim3A_198, %broadcast_in_dim3A_200 : vector<16xi1>, vector<16xf32>
      %mul3A_207 = arith.mulf %get3A_196, %select_n3A_202 : vector<16xf32>
      %mul3A_208 = arith.mulf %get3A_196, %select_n3A_204 : vector<16xf32>
      %mul3A_209 = arith.mulf %get3A_196, %select_n3A_206 : vector<16xf32>
      %mul3A_210 = arith.mulf %get3A_196, %get3A_196 : vector<16xf32>
      %add3A_211 = arith.addf %select_n3A_202, %select_n3A_204 : vector<16xf32>
      %add3A_212 = arith.addf %add3A_211, %select_n3A_206 : vector<16xf32>
      %mul3A_213 = arith.mulf %get3A_4, %add3A_212 : vector<16xf32>
      %sub3A_214 = arith.subf %get3A_196, %mul3A_213 : vector<16xf32>
      %abs3A_215 = math.absf %sub3A_214 : vector<16xf32>
      %lt3A_216 = arith.cmpf olt, %abs3A_215, %mul3A_16 : vector<16xf32>
      %select_n3A_217 = arith.select %lt3A_216, %broadcast_in_dim3A_198, %broadcast_in_dim3A_200 : vector<16xi1>, vector<16xf32>
      %mul3A_218 = arith.mulf %mul3A_207, %get3A_196 : vector<16xf32>
      %mul3A_219 = arith.mulf %mul3A_208, %get3A_196 : vector<16xf32>
      %mul3A_220 = arith.mulf %mul3A_209, %get3A_196 : vector<16xf32>
      %add3A_221 = arith.addf %add3A_177, %select_n3A_202 : vector<16xf32>
      %add3A_222 = arith.addf %add3A_178, %select_n3A_204 : vector<16xf32>
      %add3A_223 = arith.addf %add3A_179, %select_n3A_206 : vector<16xf32>
      %add3A_224 = arith.addf %add3A_180, %get3A_196 : vector<16xf32>
      %add3A_225 = arith.addf %add3A_181, %mul3A_207 : vector<16xf32>
      %add3A_226 = arith.addf %add3A_182, %mul3A_208 : vector<16xf32>
      %add3A_227 = arith.addf %add3A_183, %mul3A_209 : vector<16xf32>
      %add3A_228 = arith.addf %add3A_184, %mul3A_210 : vector<16xf32>
      %add3A_229 = arith.addf %add3A_185, %mul3A_218 : vector<16xf32>
      %add3A_230 = arith.addf %add3A_186, %mul3A_219 : vector<16xf32>
      %add3A_231 = arith.addf %add3A_187, %mul3A_220 : vector<16xf32>
      %add3A_232 = arith.addf %add3A_188, %abs3A_215 : vector<16xf32>
      %add3A_233 = arith.addf %add3A_189, %select_n3A_217 : vector<16xf32>
      %scan3A_234 = arith.constant 3 : i32
      %scan3A_235 = arith.addi %scan3A_96, %scan3A_234 : i32
      %mul3A_236 = arith.constant 16 : i32
      %mul3A_237 = arith.muli %scan3A_235, %mul3A_236 : i32
      %get3A_238 = arith.index_cast %mul3A_237 : i32 to index
      %get3A_239 = tpu.vector_load %arg6[%get3A_238] {strides = array<i32>} : memref<12544xf32, #tpu.memory_space<vmem>>, vector<16xf32>,
      %get3A_240 = vector.shape_cast %get3A_239 : vector<16xf32> to vector<16xf32>
      %broadcast_in_dim3A_241 = arith.constant 1.000000e+00 : f32
      %broadcast_in_dim3A_242 = vector.broadcast %broadcast_in_dim3A_241 : f32 to vector<16xf32>
      %broadcast_in_dim3A_243 = arith.constant 0.000000e+00 : f32
      %broadcast_in_dim3A_244 = vector.broadcast %broadcast_in_dim3A_243 : f32 to vector<16xf32>
      %gt3A_245 = arith.cmpf ogt, %get3A_240, %mul3A_7 : vector<16xf32>
      %select_n3A_246 = arith.select %gt3A_245, %broadcast_in_dim3A_242, %broadcast_in_dim3A_244 : vector<16xi1>, vector<16xf32>
      %ge3A_247 = arith.cmpf oge, %get3A_240, %mul3A_10 : vector<16xf32>
      %select_n3A_248 = arith.select %ge3A_247, %broadcast_in_dim3A_242, %broadcast_in_dim3A_244 : vector<16xi1>, vector<16xf32>
      %gt3A_249 = arith.cmpf ogt, %get3A_240, %mul3A_13 : vector<16xf32>
      %select_n3A_250 = arith.select %gt3A_249, %broadcast_in_dim3A_242, %broadcast_in_dim3A_244 : vector<16xi1>, vector<16xf32>
      %mul3A_251 = arith.mulf %get3A_240, %select_n3A_246 : vector<16xf32>
      %mul3A_252 = arith.mulf %get3A_240, %select_n3A_248 : vector<16xf32>
      %mul3A_253 = arith.mulf %get3A_240, %select_n3A_250 : vector<16xf32>
      %mul3A_254 = arith.mulf %get3A_240, %get3A_240 : vector<16xf32>
      %add3A_255 = arith.addf %select_n3A_246, %select_n3A_248 : vector<16xf32>
      %add3A_256 = arith.addf %add3A_255, %select_n3A_250 : vector<16xf32>
      %mul3A_257 = arith.mulf %get3A_4, %add3A_256 : vector<16xf32>
      %sub3A_258 = arith.subf %get3A_240, %mul3A_257 : vector<16xf32>
      %abs3A_259 = math.absf %sub3A_258 : vector<16xf32>
      %lt3A_260 = arith.cmpf olt, %abs3A_259, %mul3A_16 : vector<16xf32>
      %select_n3A_261 = arith.select %lt3A_260, %broadcast_in_dim3A_242, %broadcast_in_dim3A_244 : vector<16xi1>, vector<16xf32>
      %mul3A_262 = arith.mulf %mul3A_251, %get3A_240 : vector<16xf32>
      %mul3A_263 = arith.mulf %mul3A_252, %get3A_240 : vector<16xf32>
      %mul3A_264 = arith.mulf %mul3A_253, %get3A_240 : vector<16xf32>
      %add3A_265 = arith.addf %add3A_221, %select_n3A_246 : vector<16xf32>
      %add3A_266 = arith.addf %add3A_222, %select_n3A_248 : vector<16xf32>
      %add3A_267 = arith.addf %add3A_223, %select_n3A_250 : vector<16xf32>
      %add3A_268 = arith.addf %add3A_224, %get3A_240 : vector<16xf32>
      %add3A_269 = arith.addf %add3A_225, %mul3A_251 : vector<16xf32>
      %add3A_270 = arith.addf %add3A_226, %mul3A_252 : vector<16xf32>
      %add3A_271 = arith.addf %add3A_227, %mul3A_253 : vector<16xf32>
      %add3A_272 = arith.addf %add3A_228, %mul3A_254 : vector<16xf32>
      %add3A_273 = arith.addf %add3A_229, %mul3A_262 : vector<16xf32>
      %add3A_274 = arith.addf %add3A_230, %mul3A_263 : vector<16xf32>
      %add3A_275 = arith.addf %add3A_231, %mul3A_264 : vector<16xf32>
      %add3A_276 = arith.addf %add3A_232, %abs3A_259 : vector<16xf32>
      %add3A_277 = arith.addf %add3A_233, %select_n3A_261 : vector<16xf32>
      scf.yield %add3A_265, %add3A_266, %add3A_267, %add3A_268, %add3A_269, %add3A_270, %add3A_271, %add3A_272, %add3A_273, %add3A_274, %add3A_275, %add3A_276, %add3A_277 : vector<16xf32>, vector<16xf32>, vector<16xf32>, vector<16xf32>, vector<16xf32>, vector<16xf32>, vector<16xf32>, vector<16xf32>, vector<16xf32>, vector<16xf32>, vector<16xf32>, vector<16xf32>, vector<16xf32>
    }
    %scan3A_44 = arith.constant 784 : i32
    %swap3A = arith.constant 0 : index
    %swap3A_45 = tpu.vector_load %arg8[%swap3A] {strides = array<i32>} : memref<208xf32, #tpu.memory_space<vmem>>, vector<16xf32>,
    %swap3A_46 = vector.shape_cast %swap3A_45 : vector<16xf32> to vector<16xf32>
    %swap3A_47 = vector.shape_cast %scan3A_43#0 : vector<16xf32> to vector<16xf32>
    tpu.vector_store %arg8[%swap3A], %swap3A_47 {strides = array<i32>} : memref<208xf32, #tpu.memory_space<vmem>>, vector<16xf32>,
    %swap3A_48 = arith.constant 16 : index
    %swap3A_49 = tpu.vector_load %arg8[%swap3A_48] {strides = array<i32>} : memref<208xf32, #tpu.memory_space<vmem>>, vector<16xf32>,
    %swap3A_50 = vector.shape_cast %swap3A_49 : vector<16xf32> to vector<16xf32>
    %swap3A_51 = vector.shape_cast %scan3A_43#1 : vector<16xf32> to vector<16xf32>
    tpu.vector_store %arg8[%swap3A_48], %swap3A_51 {strides = array<i32>} : memref<208xf32, #tpu.memory_space<vmem>>, vector<16xf32>,
    %swap3A_52 = arith.constant 32 : index
    %swap3A_53 = tpu.vector_load %arg8[%swap3A_52] {strides = array<i32>} : memref<208xf32, #tpu.memory_space<vmem>>, vector<16xf32>,
    %swap3A_54 = vector.shape_cast %swap3A_53 : vector<16xf32> to vector<16xf32>
    %swap3A_55 = vector.shape_cast %scan3A_43#2 : vector<16xf32> to vector<16xf32>
    tpu.vector_store %arg8[%swap3A_52], %swap3A_55 {strides = array<i32>} : memref<208xf32, #tpu.memory_space<vmem>>, vector<16xf32>,
    %swap3A_56 = arith.constant 48 : index
    %swap3A_57 = tpu.vector_load %arg8[%swap3A_56] {strides = array<i32>} : memref<208xf32, #tpu.memory_space<vmem>>, vector<16xf32>,
    %swap3A_58 = vector.shape_cast %swap3A_57 : vector<16xf32> to vector<16xf32>
    %swap3A_59 = vector.shape_cast %scan3A_43#3 : vector<16xf32> to vector<16xf32>
    tpu.vector_store %arg8[%swap3A_56], %swap3A_59 {strides = array<i32>} : memref<208xf32, #tpu.memory_space<vmem>>, vector<16xf32>,
    %swap3A_60 = arith.constant 64 : index
    %swap3A_61 = tpu.vector_load %arg8[%swap3A_60] {strides = array<i32>} : memref<208xf32, #tpu.memory_space<vmem>>, vector<16xf32>,
    %swap3A_62 = vector.shape_cast %swap3A_61 : vector<16xf32> to vector<16xf32>
    %swap3A_63 = vector.shape_cast %scan3A_43#4 : vector<16xf32> to vector<16xf32>
    tpu.vector_store %arg8[%swap3A_60], %swap3A_63 {strides = array<i32>} : memref<208xf32, #tpu.memory_space<vmem>>, vector<16xf32>,
    %swap3A_64 = arith.constant 80 : index
    %swap3A_65 = tpu.vector_load %arg8[%swap3A_64] {strides = array<i32>} : memref<208xf32, #tpu.memory_space<vmem>>, vector<16xf32>,
    %swap3A_66 = vector.shape_cast %swap3A_65 : vector<16xf32> to vector<16xf32>
    %swap3A_67 = vector.shape_cast %scan3A_43#5 : vector<16xf32> to vector<16xf32>
    tpu.vector_store %arg8[%swap3A_64], %swap3A_67 {strides = array<i32>} : memref<208xf32, #tpu.memory_space<vmem>>, vector<16xf32>,
    %swap3A_68 = arith.constant 96 : index
    %swap3A_69 = tpu.vector_load %arg8[%swap3A_68] {strides = array<i32>} : memref<208xf32, #tpu.memory_space<vmem>>, vector<16xf32>,
    %swap3A_70 = vector.shape_cast %swap3A_69 : vector<16xf32> to vector<16xf32>
    %swap3A_71 = vector.shape_cast %scan3A_43#6 : vector<16xf32> to vector<16xf32>
    tpu.vector_store %arg8[%swap3A_68], %swap3A_71 {strides = array<i32>} : memref<208xf32, #tpu.memory_space<vmem>>, vector<16xf32>,
    %swap3A_72 = arith.constant 112 : index
    %swap3A_73 = tpu.vector_load %arg8[%swap3A_72] {strides = array<i32>} : memref<208xf32, #tpu.memory_space<vmem>>, vector<16xf32>,
    %swap3A_74 = vector.shape_cast %swap3A_73 : vector<16xf32> to vector<16xf32>
    %swap3A_75 = vector.shape_cast %scan3A_43#7 : vector<16xf32> to vector<16xf32>
    tpu.vector_store %arg8[%swap3A_72], %swap3A_75 {strides = array<i32>} : memref<208xf32, #tpu.memory_space<vmem>>, vector<16xf32>,
    %swap3A_76 = arith.constant 128 : index
    %swap3A_77 = tpu.vector_load %arg8[%swap3A_76] {strides = array<i32>} : memref<208xf32, #tpu.memory_space<vmem>>, vector<16xf32>,
    %swap3A_78 = vector.shape_cast %swap3A_77 : vector<16xf32> to vector<16xf32>
    %swap3A_79 = vector.shape_cast %scan3A_43#8 : vector<16xf32> to vector<16xf32>
    tpu.vector_store %arg8[%swap3A_76], %swap3A_79 {strides = array<i32>} : memref<208xf32, #tpu.memory_space<vmem>>, vector<16xf32>,
    %swap3A_80 = arith.constant 144 : index
    %swap3A_81 = tpu.vector_load %arg8[%swap3A_80] {strides = array<i32>} : memref<208xf32, #tpu.memory_space<vmem>>, vector<16xf32>,
    %swap3A_82 = vector.shape_cast %swap3A_81 : vector<16xf32> to vector<16xf32>
    %swap3A_83 = vector.shape_cast %scan3A_43#9 : vector<16xf32> to vector<16xf32>
    tpu.vector_store %arg8[%swap3A_80], %swap3A_83 {strides = array<i32>} : memref<208xf32, #tpu.memory_space<vmem>>, vector<16xf32>,
    %swap3A_84 = arith.constant 160 : index
    %swap3A_85 = tpu.vector_load %arg8[%swap3A_84] {strides = array<i32>} : memref<208xf32, #tpu.memory_space<vmem>>, vector<16xf32>,
    %swap3A_86 = vector.shape_cast %swap3A_85 : vector<16xf32> to vector<16xf32>
    %swap3A_87 = vector.shape_cast %scan3A_43#10 : vector<16xf32> to vector<16xf32>
    tpu.vector_store %arg8[%swap3A_84], %swap3A_87 {strides = array<i32>} : memref<208xf32, #tpu.memory_space<vmem>>, vector<16xf32>,
    %swap3A_88 = arith.constant 176 : index
    %swap3A_89 = tpu.vector_load %arg8[%swap3A_88] {strides = array<i32>} : memref<208xf32, #tpu.memory_space<vmem>>, vector<16xf32>,
    %swap3A_90 = vector.shape_cast %swap3A_89 : vector<16xf32> to vector<16xf32>
    %swap3A_91 = vector.shape_cast %scan3A_43#11 : vector<16xf32> to vector<16xf32>
    tpu.vector_store %arg8[%swap3A_88], %swap3A_91 {strides = array<i32>} : memref<208xf32, #tpu.memory_space<vmem>>, vector<16xf32>,
    %swap3A_92 = arith.constant 192 : index
    %swap3A_93 = tpu.vector_load %arg8[%swap3A_92] {strides = array<i32>} : memref<208xf32, #tpu.memory_space<vmem>>, vector<16xf32>,
    %swap3A_94 = vector.shape_cast %swap3A_93 : vector<16xf32> to vector<16xf32>
    %swap3A_95 = vector.shape_cast %scan3A_43#12 : vector<16xf32> to vector<16xf32>
    tpu.vector_store %arg8[%swap3A_92], %swap3A_95 {strides = array<i32>} : memref<208xf32, #tpu.memory_space<vmem>>, vector<16xf32>,
    "tpu.region"() ({
      %run_scoped3A = tpu.sem_alloc : memref<!tpu.dma_semaphore, #tpu.memory_space<semaphore_mem>>
      %dma_start3A_96 = arith.constant 0 : i32
      %dma_start3A_97 = tpu.memref_slice %arg4[%add3A, %dma_start3A_96] : memref<32x208xf32, #tpu.memory_space<hbm>> -> memref<1x208xf32, #tpu.memory_space<hbm>>
      %dma_start3A_98 = tpu.memref_squeeze %dma_start3A_97 : memref<1x208xf32, #tpu.memory_space<hbm>> -> memref<208xf32, #tpu.memory_space<hbm>>
      %dma_start3A_99 = arith.constant 0 : i32
      %dma_start3A_100 = tpu.memref_slice %arg4[%add3A, %dma_start3A_99] : memref<32x208xf32, #tpu.memory_space<hbm>> -> memref<1x208xf32, #tpu.memory_space<hbm>>
      %dma_start3A_101 = tpu.memref_squeeze %dma_start3A_100 : memref<1x208xf32, #tpu.memory_space<hbm>> -> memref<208xf32, #tpu.memory_space<hbm>>
      tpu.enqueue_dma source(%arg8 : memref<208xf32, #tpu.memory_space<vmem>>) target(%dma_start3A_101 : memref<208xf32, #tpu.memory_space<hbm>>) target_semaphore(%run_scoped3A : memref<!tpu.dma_semaphore, #tpu.memory_space<semaphore_mem>>)
      %dma_wait3A_102 = arith.constant 0 : i32
      %dma_wait3A_103 = tpu.memref_slice %arg4[%add3A, %dma_wait3A_102] : memref<32x208xf32, #tpu.memory_space<hbm>> -> memref<1x208xf32, #tpu.memory_space<hbm>>
      %dma_wait3A_104 = tpu.memref_squeeze %dma_wait3A_103 : memref<1x208xf32, #tpu.memory_space<hbm>> -> memref<208xf32, #tpu.memory_space<hbm>>
      %dma_wait3A_105 = arith.constant 0 : i32
      %dma_wait3A_106 = tpu.memref_slice %arg4[%add3A, %dma_wait3A_105] : memref<32x208xf32, #tpu.memory_space<hbm>> -> memref<1x208xf32, #tpu.memory_space<hbm>>
      %dma_wait3A_107 = tpu.memref_squeeze %dma_wait3A_106 : memref<1x208xf32, #tpu.memory_space<hbm>> -> memref<208xf32, #tpu.memory_space<hbm>>
      tpu.wait_dma2 semaphore(%run_scoped3A : memref<!tpu.dma_semaphore, #tpu.memory_space<semaphore_mem>>) src(%arg8 : memref<208xf32, #tpu.memory_space<vmem>>) dst(%dma_wait3A_107 : memref<208xf32, #tpu.memory_space<hbm>>)
      tpu.yield
    }) : () -> ()
    return
  }
}

</mosaic_0001>

<sc_bundles>
// kernel: _sc_reduce.3.cloned.1.call-start
scs
__scs_entry_jumppad:
0x0: {  	(pc) =	sbr.rel $0x88, $3  }
0x1: {  	(tag) =	ssettag $0x0;
	lr =	simm.s32 $0x1  }
0x2: {  	[smem:$0x3F9F] =	sst lr;
	_ =	strace $0xD0000000  }
0x3: {  	_ = 	snop  }
0x4: {  	_ = 	snop  }
0x5: {  	_ = 	snop  }
0x6: {  	_ = 	snop  }
0x7: {  	_ = 	snop  }
__scs_overlays_trampoline_lowered:
0x8: {  	[smem:$0x3FAE] =	sst s0  }
0x9: {  	[smem:$0x3FAF] =	sst s1  }
0xa: {  	[smem:$0x3FB0] =	sst s2  }
0xb: {  	[smem:$0x3FB1] =	sst s3  }
0xc: {  	[smem:$0x3FB2] =	sst s4  }
0xd: {  	[smem:$0x3FB3] =	sst s5  }
0xe: {  	[smem:$0x3FB4] =	sst s6  }
0xf: {  	[smem:$0x3FB5] =	sst s7  }
0x10: {  	[smem:$0x3FB6] =	sst s8  }
0x11: {  	[smem:$0x3FB7] =	sst s9;
	s0 =	simm.s32 @!p0 $0x0  }
0x12: {  	s1 =	sld [smem:$0x3F9D];
	s0 =	simm.s32 @p0 $0x1  }
0x13: {  	[smem:$0x3FB8] =	sst s0;
	s0 =	simm.s32 @!p1 $0x0  }
0x14: {  	s2 =	sld [smem:$0x3F9C];
	s0 =	simm.s32 @p1 $0x1  }
0x15: {  	[smem:$0x3FB9] =	sst s0;
	s0 =	simm.s32 @!p2 $0x0  }
0x16: {  	s3 =	sld [smem:$0x3FDB];
	s0 =	simm.s32 @p2 $0x1  }
0x17: {  	s4 =	simm.s32 $0x1BF5;
	[smem:$0x3FBB] =	sst s0  }
0x18: {  	s0 =	sld [smem:$0x3F9E];
	_ =	swait.ge [sflag:s4], $0x0  }
0x19: {  	s7 =	sld [smem:$0x3F9F]  }
0x1a: {  	s8 =	sadd.s32 $0xFFFFE003, lr  }
0x1b: {  	s9 =	sadd.s32 $0xFFFFFEF7, lr;
	s5 =	simm.s32 $0xFFFFFFFF;
	p2 =	slt.u32 s8, $0xFFFFF086  }
0x1c: {  	p1 =	slt.u32 s9, $0xF7A;
	s5 =	simm.s32 @!p2 $0x0  }
0x1d: {  	s5 =	simm.s32 @p1 $0x1;
	p0 =	seq.s32 s7, s2  }
0x1e: {  	s7 =	smul.u32 @!p0 $0xF7A, s2;
	p2 =	seq.s32 @!p0 s5, $0x0  }
0x1f: {  	s9 =	smul.u32 $0xF7A, s1;
	s8 =	simm.s32 @!p0 $0x1BF5;
	p2 =	por !p2, p0  }
0x20: {  	[sflag:s8] =	ssyncset.s32 @!p0 $0xFFFFF086;
	s6 =	sadd.s32 @!p0 s3, s7;
	s7 =	simm.s32 @!p0 $0x108  }
0x21: {  	s3 =	sadd.s32 s3, s9;
	s6 =	sadd.s32 @!p0 $0x88, s6;
	s7 =	simm.s32 @p2 $0x1082  }
0x22: {  	[simem:s7], [sflag:s8] =	dma.local @!p0 [hbm:s6], $0xF7A  }
0x23: {  	s9 =	sor.u32 $0xD0000000, s2;
	s6 =	simm.s32 $0x108;
	_ =	swait.ge @!p0 [sflag:s8], $0x0  }
0x24: {  	s3 =	sadd.s32 $0x88, s3;
	s6 =	simm.s32 @!p1 $0x1082;
	[sflag:s4] =	ssyncset.s32 $0xFFFFF086  }
0x25: {  	[simem:s6], [sflag:s4] =	dma.local [hbm:s3], $0xF7A  }
0x26: {  	[smem:$0x3F9F] =	sst s1;
	(tag) =	ssettag s2;
	_ =	strace s9  }
0x27: {  	s1 =	sld [smem:$0x3FAF]  }
0x28: {  	s2 =	sld [smem:$0x3FB0]  }
0x29: {  	s4 =	sld [smem:$0x3FB2]  }
0x2a: {  	p0 =	seq.s32 s5, $0x0;
	s5 =	sld [smem:$0x3FB3]  }
0x2b: {  	s6 =	sld [smem:$0x3FB4]  }
0x2c: {  	s7 =	sld [smem:$0x3FB5]  }
0x2d: {  	s3 =	simm.s32 $0x108;
	s8 =	sld [smem:$0x3FB6]  }
0x2e: {  	s3 =	simm.s32 @!p0 $0x1082;
	s9 =	sld [smem:$0x3FB7]  }
0x2f: {  	lr =	sadd.s32 s0, s3;
	s0 =	sld [smem:$0x3FAE]  }
0x30: {  	s3 =	sld [smem:$0x3FB1]  }
0x31: {  	[smem:$0x3FBA] =	sst s10  }
0x32: {  	s10 =	sld [smem:$0x3FB8];
	_ =	sdelay $0x3  }
0x33: {  	p0 =	seq.s32 s10, $0x1;
	s10 =	sld [smem:$0x3FBA];
	_ =	sdelay $0x3  }
0x34: {  	[smem:$0x3FBA] =	sst s10  }
0x35: {  	s10 =	sld [smem:$0x3FB9];
	_ =	sdelay $0x3  }
0x36: {  	p1 =	seq.s32 s10, $0x1;
	s10 =	sld [smem:$0x3FBA];
	_ =	sdelay $0x3  }
0x37: {  	[smem:$0x3FBA] =	sst s10  }
0x38: {  	s10 =	sld [smem:$0x3FBB]  }
0x39: {  	_ = 	snop;
	(pc) =	sbr.ind lr, $3  }
0x3a: {  	_ = 	snop  }
0x3b: {  	_ = 	snop  }
0x3c: {  	p2 =	seq.s32 s10, $0x1;
	s10 =	sld [smem:$0x3FBA]  }
0x3d: {  	_ =	shalt  }
0x3e: {  	_ =	shalt  }
0x3f: {  	_ =	shalt  }
0x40: {  	_ =	shalt  }
0x41: {  	_ =	shalt  }
0x42: {  	_ =	shalt  }
0x43: {  	_ =	shalt  }
0x44: {  	_ =	shalt  }
0x45: {  	_ =	shalt  }
0x46: {  	_ =	shalt  }
0x47: {  	_ =	shalt  }
0x48: {  	_ =	shalt  }
0x49: {  	_ =	shalt  }
0x4a: {  	_ =	shalt  }
0x4b: {  	_ =	shalt  }
0x4c: {  	_ =	shalt  }
0x4d: {  	_ =	shalt  }
0x4e: {  	_ =	shalt  }
0x4f: {  	_ =	shalt  }
0x50: {  	_ =	shalt  }
0x51: {  	_ =	shalt  }
0x52: {  	_ =	shalt  }
0x53: {  	_ =	shalt  }
0x54: {  	_ =	shalt  }
0x55: {  	_ =	shalt  }
0x56: {  	_ =	shalt  }
0x57: {  	_ =	shalt  }
0x58: {  	_ =	shalt  }
0x59: {  	_ =	shalt  }
0x5a: {  	_ =	shalt  }
0x5b: {  	_ =	shalt  }
0x5c: {  	_ =	shalt  }
0x5d: {  	_ =	shalt  }
0x5e: {  	_ =	shalt  }
0x5f: {  	_ =	shalt  }
0x60: {  	_ =	shalt  }
0x61: {  	_ =	shalt  }
0x62: {  	_ =	shalt  }
0x63: {  	_ =	shalt  }
0x64: {  	_ =	shalt  }
0x65: {  	_ =	shalt  }
0x66: {  	_ =	shalt  }
0x67: {  	_ =	shalt  }
0x68: {  	_ =	shalt  }
0x69: {  	_ =	shalt  }
0x6a: {  	_ =	shalt  }
0x6b: {  	_ =	shalt  }
0x6c: {  	_ =	shalt  }
0x6d: {  	_ =	shalt  }
0x6e: {  	_ =	shalt  }
0x6f: {  	_ =	shalt  }
0x70: {  	_ =	shalt  }
0x71: {  	_ =	shalt  }
0x72: {  	_ =	shalt  }
0x73: {  	_ =	shalt  }
0x74: {  	_ =	shalt  }
0x75: {  	_ =	shalt  }
0x76: {  	_ =	shalt  }
0x77: {  	_ =	shalt  }
0x78: {  	_ =	shalt  }
0x79: {  	_ =	shalt  }
0x7a: {  	_ =	shalt  }
0x7b: {  	_ =	shalt  }
0x7c: {  	_ =	shalt  }
0x7d: {  	_ =	shalt  }
0x7e: {  	_ =	shalt  }
0x7f: {  	_ =	shalt  }
0x80: {  	_ =	shalt  }
0x81: {  	_ =	shalt  }
0x82: {  	_ =	shalt  }
0x83: {  	_ =	shalt  }
0x84: {  	_ =	shalt  }
0x85: {  	_ =	shalt  }
0x86: {  	_ =	shalt  }
0x87: {  	_ =	shalt  }
.Lfunc_end0:
.L_simem_size_0:
called_computation_lowered:
.L_overlay_start_0:
0x88: {  	s2 =	sld [smem:$0x3FD9]  }
0x89: {  	s3 =	sld [smem:$0x3FFE];
	_ =	sdelay $0x1  }
0x8a: {  	s1 =	srdreg.scid  }
0x8b: {  	s0 =	sand.u32 $0x1, s1  }
0x8c: {  	s18 =	sshll.u32 s0, $0xA;
	s2 =	sadd.s32 s3, s2  }
0x8d: {  	s2 =	sadd.s32 s2, s18  }
0x8e: {  	[smem:$0x3FC6] =	sst s2  }
0x8f: {  	_ = 	snop  }
0x90: {  	s2 =	sld [smem:$0x3FC9]  }
0x91: {  	s19 =	sld [smem:$0x3FC8]  }
0x92: {  	s4 =	sld [smem:$0x3FD0];
	(tm) =	ssettm $0x1  }
0x93: {  	s5 =	sld [smem:$0x3FFB];
	_ =	sdelay $0x3  }
0x94: {  	_ =	strace s5  }
0x95: {  	s5 =	sld [smem:$0x3FFC];
	_ =	sdelay $0x3  }
0x96: {  	_ =	strace s5  }
0x97: {  	s5 =	sld [smem:$0x3FFD];
	_ =	sdelay $0x3  }
0x98: {  	_ =	strace s5  }
0x99: {  	_ =	strace $0x8FFFFFFF  }
0x9a: {  	s20 =	sld [smem:$0x3FDB];
	_ =	sdelay $0x1  }
0x9b: {  	s6 =	simm.s32 $_scs_section_size  }
0x9c: {  	s7 =	simm.s32 $_size__tile_overlayer_lowered;
	s8 =	simm.s32 $_tile_overlayer_lowered  }
0x9d: {  	s23 =	simm.s32 $0x1BFF;
	s22 =	sshll.u32 s8, $0x1;
	s5 =	sadd.s32 s6, s20  }
0x9e: {  	s9 =	simm.s32 $0x0;
	s21 =	sshll.u32 s7, $0x1;
	s7 =	sadd.s32 s22, s5  }
0x9f: {  	[timem:s9], [sflag:s23] =	dma.local [hbm:s7], s21  }
0xa0: {  	_ =	swait.ge [sflag:s23], s21  }
0xa1: {  	s6 =	ssub.s32 $0x0, s21;
	[sflag:s23] =	ssyncset.done $0x0  }
0xa2: {  	[sflag:s23] =	ssyncadd.s32 s6;
	_ =	sdelay $0x1  }
0xa3: {  	s24 =	simm.s32 $0x1B8B  }
0xa4: {  	_ =	swait.ge [sflag:s24], $0x1  }
0xa5: {  	[sflag:s24] =	ssyncset.done $0x0  }
0xa6: {  	s25 =	simm.s32 $0x1B8E;
	[sflag:s24] =	ssyncadd.s32 $0xFFFFFFFF  }
0xa7: {  	s26 =	simm.s32 $execute0_lowered;
	[smem:$0x3FD2] =	sst s25  }
0xa8: {  	s6 =	sshll.u32 s26, $0x1;
	_ =	strace $0x80000046;
	[dreg:$0x1] =	wrdreg $0xFFFFFFFF  }
0xa9: {  	s28 =	simm.s32 $_size_execute0_lowered;
	s5 =	sadd.s32 s5, s6;
	[dreg:$0x0] =	wrdreg $0x0  }
0xaa: {  	s6 =	sshll.u32 s28, $0x1;
	[dreg:$0x2] =	wrdreg s5  }
0xab: {  	[dreg:$0x3] =	wrdreg s6  }
0xac: {  	[dreg:$0x4] =	wrdreg $0xC0  }
0xad: {  	_ =	task [dreg:s9], $0x5FFFF  }
0xae: {  	[dreg:$0x1] =	wrdreg $0xFFFFFFFF  }
0xaf: {  	[dreg:$0x0] =	wrdreg $0x60  }
0xb0: {  	[dreg:$0x2] =	wrdreg s2  }
0xb1: {  	[dreg:$0x3] =	wrdreg s19  }
0xb2: {  	[dreg:$0x4] =	wrdreg s4  }
0xb3: {  	[dreg:$0x5] =	wrdreg $0x9  }
0xb4: {  	_ =	task.clear_ibuf [dreg:s9], $0x6FFFF;
	_ =	strace $0x90000046  }
0xb5: {  	s29 =	simm.s32 $0x9;
	_ =	strace $0x80000048  }
0xb6: {  	_ =	swait.ge [sflag:s29], $0x1  }
0xb7: {  	[sflag:s29] =	ssyncadd.s32 $0xFFFFFFFF  }
0xb8: {  	_ =	strace $0x90000048  }
0xb9: {  	_ =	sfence  }
0xba: {  	s30 =	sld [smem:$0x0];
	_ =	sdelay $0x2  }
0xbb: {  	s31 =	sshll.u32 s1, $0xD;
	s1 =	sshrl.u32 s1, $0x2  }
0xbc: {  	s3 =	sand.u32 $0x4000, s31;
	s1 =	sadd.s32 s1, s30  }
0xbd: {  	s0 =	sor.u32 s3, s0;
	s1 =	sshll.u32 s1, $0x11  }
0xbe: {  	s0 =	sor.u32 s1, s0  }
0xbf: {  	s0 =	sadd.s32 $0x8F2B, s0  }
0xc0: {  	[sflag:s0] =	ssyncadd.remote.s32 $0x1  }
0xc1: {  	_ =	sfence.sel $0xFFFF  }
0xc2: {  	[dreg:$0x0] =	wrdreg $0xFFFFFFFF;
	(pc) =	sbr.abs _section_cstart, $3  }
0xc3: {  	[dreg:$0x1] =	wrdreg $0xFFFFFFFF  }
0xc4: {  	_ =	task.clear_ibuf [dreg:s9], $0x2FFFF;
	_ =	strace $0x9FFFFFFF  }
0xc5: {  	(tm) =	ssettm $0x7FFFFFFF  }
tec
execute0_lowered:
.L_overlay_start_1:
0x0: {  	(tag) =	ssettag $0x1  }
0x1: {  	s1 =	rddreg [dreg:$0x0];
	s2 =	srdreg.scid  }
0x2: {  	s0 =	stileid.u32;
	s3 =	rddreg [dreg:$0x1]  }
0x3: {  	s8 =	rddreg [dreg:$0x2];
	s4 =	simm.s32 $0x0;
	s13 =	simm.s32 $0x3100  }
0x4: {  	s14 =	simm.s32 $0x1;
	s15 =	simm.s32 $0x2;
	s16 =	simm.s32 $0x80  }
0x5: {  	s17 =	simm.s32 $0x400;
	s18 =	simm.s32 $0x6280;
	s19 =	simm.s32 $0x0  }
0x6: {  	s5 =	sand.u32 $0x1, s2;
	s29 =	sshll.u32 s0, $0x1;
	s2 =	rddreg [dreg:$0x3]  }
0x7: {  	[smem:$0x7FF] =	sst s4;
	s7 =	sor.u32 s5, s29;
	s5 =	ssub.s32 $0x2, s5  }
0x8: {  	s30 =	sshll.u32 s0, $0x6;
	s9 =	smul.u32 $0x18800, s7;
	s6 =	sshrl.u32 s5, $0x1  }
0x9: {  	_ =	strace $0x80000047;
	s12 =	sshll.u32 s7, $0x4;
	s11 =	ssub.s32 s5, s6  }
0xa: {  	s31 =	sand.u32 $0x70, s12;
	s12 =	simm.s32 $0x3;
	s10 =	sshrl.u32 s9, $0x3  }
0xb: {  	s6 =	sadd.s32 $0x3100, s9;
	s5 =	sadd.s32 s1, s10;
	s10 =	sand.u32 $0x300, s30  }
0xc: {  	s7 =	sadd.s32 $0x6200, s9;
	s10 =	sadd.s32 s8, s10;
	s8 =	sadd.s32 $0x2AE0, s5  }
0xd: {  	v0 =	vimm.f32 $0.0e+00;
	s9 =	sadd.s32 s31, s10;
	s10 =	smax.u32 s11, $0x1;
	s11 =	simm.s32 $0x6200  }
.LBB2_1:
0xe: {  	[tilespmem:s11], [sflag:$0x3] =	stream.linear.gather [hbm4b:s3+s4], $0x80, $0x38;
	[tilespmem:$0x6380] =	vst v63  }
0xf: {  	_ =	swait.ge [sflag:s12], $0x80  }
0x10: {  	[sflag:s12] =	ssyncset.done $0x0  }
0x11: {  	[sflag:s12] =	ssyncadd.s32 $0xFFFFFF80  }
0x12: {  	v2 =	vld [tilespmem:$0x6200]  }
0x13: {  	v6 =	vimm.f32 $0.0e+00;
	v7 =	vimm.f32 $0.0e+00  }
0x14: {  	v17 =	vimm.f32 $0.0e+00;
	v18 =	vimm.f32 $0.0e+00;
	v8 =	vimm.f32 $0.0e+00  }
0x15: {  	v9 =	vimm.f32 $0.0e+00;
	v10 =	vimm.f32 $0.0e+00;
	v11 =	vimm.f32 $0.0e+00  }
0x16: {  	v12 =	vimm.f32 $0.0e+00;
	v13 =	vimm.f32 $0.0e+00;
	v14 =	vimm.f32 $0.0e+00  }
0x17: {  	v15 =	vimm.f32 $0.0e+00;
	s20 =	simm.s32 $0x0;
	v3 =	vmul.f32 $5.000000000e-01, v2;
	v1 =	vmul.f32 $9.999999770e-03, v2  }
0x18: {  	v16 =	vimm.f32 $0.0e+00;
	[tilespmem:s4], [sflag:$0x1] =	stream.linear.gather [hbm4b:s5+s4], $0x3100, $0x38;
	v4 =	vmul.f32 $1.500000000e+00, v2;
	v5 =	vmul.f32 $2.500000000e+00, v2;
	[tilespmem:$0x6380] =	vst v63  }
.LBB2_2:
0x19: {  	s21 =	smul.u32 $0x6200, s20;
	_ =	sdelay $0x1  }
0x1a: {  	s22 =	sadd.s32 s21, s6  }
0x1b: {  	s22 =	sshrl.u32 s22, $0x3  }
0x1c: {  	s22 =	sadd.s32 s1, s22  }
0x1d: {  	[tilespmem:s13], [sflag:$0x2] =	stream.linear.gather [hbm4b:s22+s4], $0x3100, $0x38;
	[tilespmem:$0x6380] =	vst v63  }
0x1e: {  	_ =	swait.ge [sflag:s14], $0x3100  }
0x1f: {  	[sflag:s14] =	ssyncset.done $0x0  }
0x20: {  	s31 =	simm.s32 $0x20;
	[sflag:s14] =	ssyncadd.s32 $0xFFFFCF00  }
0x21: {  	v21 =	vld [tilespmem:s31+$0x10]  }
0x22: {  	v22 =	vld [tilespmem:s31+$0x0]  }
0x23: {  	v23 =	vld [tilespmem:s31+$0xFFFFFFF0]  }
0x24: {  	v27 =	vld [tilespmem:s31+$0xFFFFFFE0];
	_ =	sdelay $0x3  }
0x25: {  	v28 =	vmul.f32 v22, v22;
	v32 =	vmul.f32 v21, v21  }
0x26: {  	v30 =	vmul.f32 v27, v27;
	v31 =	vmul.f32 v23, v23  }
0x27: {  	vm0 =	vgt.f32 v21, v5;
	vm1 =	vgt.f32 v22, v5;
	vm2 =	vgt.f32 v21, v3  }
0x28: {  	vm3 =	vge.f32 v21, v4;
	vm4 =	vgt.f32 v23, v5;
	vm5 =	vgt.f32 v22, v3  }
0x29: {  	vm6 =	vge.f32 v22, v4;
	vm7 =	vgt.f32 v27, v5;
	vm8 =	vgt.f32 v23, v3  }
0x2a: {  	vm9 =	vge.f32 v23, v4;
	vm10 =	vgt.f32 v27, v3;
	vm11 =	vge.f32 v27, v4  }
0x2b: {  	v13 =	vadd.f32 v27, v13;
	v25 =	vsel vm0, $0x3F800000, v0;
	v29 =	vsel vm1, $0x3F800000, v0  }
0x2c: {  	v19 =	vsel vm2, $0x3F800000, v0;
	v33 =	vsel vm3, $0x3F800000, v0;
	v24 =	vsel vm4, $0x3F800000, v0  }
0x2d: {  	v20 =	vsel vm5, $0x3F800000, v0;
	v34 =	vsel vm6, $0x3F800000, v0;
	v26 =	vsel vm7, $0x3F800000, v0  }
0x2e: {  	v35 =	vsel vm8, $0x3F800000, v0;
	v37 =	vsel vm9, $0x3F800000, v0;
	v36 =	vmul.f32 v19, v21  }
0x2f: {  	v40 =	vsel vm10, $0x3F800000, v0;
	v38 =	vmul.f32 v33, v21;
	v39 =	vmul.f32 v25, v21  }
0x30: {  	v43 =	vsel vm11, $0x3F800000, v0;
	v41 =	vmul.f32 v20, v22;
	v42 =	vmul.f32 v34, v22  }
0x31: {  	v44 =	vmul.f32 v35, v23;
	v47 =	vadd.f32 v34, v20;
	v48 =	vadd.f32 v33, v19  }
0x32: {  	v45 =	vmul.f32 v29, v22;
	v49 =	vadd.f32 v43, v40;
	v51 =	vadd.f32 v37, v35  }
0x33: {  	v46 =	vmul.f32 v37, v23;
	v16 =	vadd.f32 v40, v16;
	v15 =	vadd.f32 v43, v15  }
0x34: {  	v50 =	vmul.f32 v24, v23;
	v14 =	vadd.f32 v26, v14;
	v13 =	vadd.f32 v23, v13  }
0x35: {  	v52 =	vmul.f32 v40, v27;
	v9 =	vadd.f32 v30, v9;
	v62 =	vadd.f32 v48, v25  }
0x36: {  	v63 =	vmul.f32 v43, v27;
	v51 =	vadd.f32 v51, v24;
	v47 =	vadd.f32 v47, v29  }
0x37: {  	v58 =	vmul.f32 v26, v27;
	v49 =	vadd.f32 v49, v26;
	v16 =	vadd.f32 v35, v16  }
0x38: {  	v53 =	vmul.f32 v36, v21;
	v12 =	vadd.f32 v52, v12;
	v15 =	vadd.f32 v37, v15  }
0x39: {  	v14 =	vadd.f32 v24, v14;
	v59 =	vmul.f32 v41, v22;
	v24 =	vmul.f32 v42, v22  }
0x3a: {  	v26 =	vmul.f32 v45, v22;
	v13 =	vadd.f32 v22, v13;
	v11 =	vadd.f32 v63, v11  }
0x3b: {  	v61 =	vmul.f32 v44, v23;
	v10 =	vadd.f32 v58, v10;
	v9 =	vadd.f32 v31, v9  }
0x3c: {  	v56 =	vmul.f32 v62, v2;
	v16 =	vadd.f32 v20, v16;
	v12 =	vadd.f32 v44, v12  }
0x3d: {  	v57 =	vmul.f32 v51, v2;
	v15 =	vadd.f32 v34, v15;
	v60 =	vadd.f32 v29, v14  }
0x3e: {  	v47 =	vmul.f32 v47, v2;
	v11 =	vadd.f32 v46, v11;
	v10 =	vadd.f32 v50, v10  }
0x3f: {  	v49 =	vmul.f32 v49, v2;
	v9 =	vadd.f32 v28, v9;
	v35 =	vsub.f32 v21, v56  }
0x40: {  	v20 =	vmul.f32 v39, v21;
	v40 =	vsub.f32 v23, v57;
	v47 =	vsub.f32 v22, v47  }
0x41: {  	v29 =	vmul.f32 v46, v23;
	v49 =	vsub.f32 v27, v49;
	v16 =	vadd.f32 v19, v16  }
0x42: {  	v62 =	vmul.f32 v52, v27;
	v22 =	vadd.f32 v41, v12;
	v14 =	vadd.f32 v33, v15  }
0x43: {  	v19 =	vmul.f32 v38, v21;
	v15 =	vadd.f32 v25, v60;
	v12 =	vadd.f32 v21, v13  }
0x44: {  	v25 =	vmul.f32 v50, v23;
	v21 =	vmul.f32 v63, v27;
	v8 =	vadd.f32 v62, v8  }
0x45: {  	v63 =	vmul.f32 v58, v27;
	v11 =	vadd.f32 v42, v11;
	v13 =	vadd.f32 v36, v22  }
0x46: {  	v8 =	vadd.f32 v61, v8;
	v30 =	vand.u32 $0x7FFFFFFF, v35;
	v31 =	vand.u32 $0x7FFFFFFF, v47  }
0x47: {  	v22 =	vadd.f32 v45, v10;
	v23 =	vand.u32 $0x7FFFFFFF, v40;
	v10 =	vadd.f32 v38, v11  }
0x48: {  	v27 =	vand.u32 $0x7FFFFFFF, v49;
	v17 =	vadd.f32 v63, v17;
	v28 =	vadd.f32 v59, v8  }
0x49: {  	vm15 =	vlt.f32 v27, v1;
	v11 =	vadd.f32 v39, v22;
	v8 =	vadd.f32 v32, v9  }
0x4a: {  	s23 =	simm.s32 $0x60;
	s22 =	simm.s32 $0x0;
	v22 =	vadd.f32 v21, v18;
	v9 =	vadd.f32 v53, v28;
	v28 =	vsel vm15, $0x3F800000, v0  }
.LBB2_3:
0x4b: {  	v21 =	vld [tilespmem:s23+$0x10];
	v7 =	vadd.f32 v27, v7;
	v6 =	vadd.f32 v28, v6;
	vm0 =	vlt.f32 v23, v1  }
0x4c: {  	v28 =	vld [tilespmem:s23+$0x0];
	v18 =	vsel vm0, $0x3F800000, v0;
	v22 =	vadd.f32 v29, v22;
	v17 =	vadd.f32 v25, v17  }
0x4d: {  	vm0 =	vlt.f32 v31, v1;
	v25 =	vld [tilespmem:s23+$0xFFFFFFF0];
	v7 =	vadd.f32 v23, v7;
	v6 =	vadd.f32 v18, v6  }
0x4e: {  	v18 =	vsel vm0, $0x3F800000, v0;
	v23 =	vld [tilespmem:s23+$0xFFFFFFE0];
	v22 =	vadd.f32 v24, v22;
	v24 =	vadd.f32 v26, v17  }
0x4f: {  	vm0 =	vlt.f32 v30, v1;
	v7 =	vadd.f32 v31, v7;
	v6 =	vadd.f32 v18, v6  }
0x50: {  	v26 =	vsel vm0, $0x3F800000, v0;
	v17 =	vadd.f32 v19, v22;
	v18 =	vadd.f32 v20, v24  }
0x51: {  	v7 =	vadd.f32 v30, v7;
	v6 =	vadd.f32 v26, v6  }
0x52: {  	v22 =	vmul.f32 v21, v21;
	v27 =	vmul.f32 v28, v28  }
0x53: {  	vm0 =	vgt.f32 v21, v5;
	v31 =	vmul.f32 v25, v25;
	v30 =	vmul.f32 v23, v23  }
0x54: {  	vm2 =	vgt.f32 v21, v3;
	vm3 =	vge.f32 v21, v4;
	vm1 =	vgt.f32 v28, v5  }
0x55: {  	vm5 =	vgt.f32 v28, v3;
	vm6 =	vge.f32 v28, v4;
	vm4 =	vgt.f32 v25, v5  }
0x56: {  	vm8 =	vgt.f32 v25, v3;
	vm9 =	vge.f32 v25, v4;
	vm7 =	vgt.f32 v23, v5  }
0x57: {  	v32 =	vsel vm0, $0x3F800000, v0;
	vm10 =	vgt.f32 v23, v3;
	vm11 =	vge.f32 v23, v4  }
0x58: {  	v19 =	vsel vm2, $0x3F800000, v0;
	v33 =	vsel vm3, $0x3F800000, v0;
	v29 =	vsel vm1, $0x3F800000, v0  }
0x59: {  	v20 =	vsel vm5, $0x3F800000, v0;
	v34 =	vsel vm6, $0x3F800000, v0;
	v24 =	vsel vm4, $0x3F800000, v0  }
0x5a: {  	v36 =	vmul.f32 v19, v21;
	v35 =	vsel vm8, $0x3F800000, v0;
	v26 =	vsel vm7, $0x3F800000, v0  }
0x5b: {  	v38 =	vmul.f32 v33, v21;
	v39 =	vmul.f32 v32, v21;
	v37 =	vsel vm9, $0x3F800000, v0  }
0x5c: {  	v41 =	vmul.f32 v20, v28;
	v42 =	vmul.f32 v34, v28;
	v40 =	vsel vm10, $0x3F800000, v0  }
0x5d: {  	v45 =	vmul.f32 v29, v28;
	v43 =	vsel vm11, $0x3F800000, v0;
	v44 =	vmul.f32 v35, v25  }
0x5e: {  	v48 =	vadd.f32 v33, v19;
	v47 =	vadd.f32 v34, v20;
	v46 =	vmul.f32 v37, v25  }
0x5f: {  	v50 =	vmul.f32 v24, v25;
	v51 =	vadd.f32 v37, v35;
	v49 =	vadd.f32 v43, v40  }
0x60: {  	v52 =	vmul.f32 v40, v23;
	v16 =	vadd.f32 v40, v16;
	v40 =	vadd.f32 v48, v32  }
0x61: {  	v48 =	vmul.f32 v43, v23;
	v47 =	vadd.f32 v47, v29;
	v51 =	vadd.f32 v51, v24  }
0x62: {  	v49 =	vadd.f32 v49, v26;
	v16 =	vadd.f32 v35, v16;
	v35 =	vmul.f32 v40, v2  }
0x63: {  	v47 =	vmul.f32 v47, v2;
	v40 =	vmul.f32 v51, v2  }
0x64: {  	v49 =	vmul.f32 v49, v2;
	v16 =	vadd.f32 v20, v16;
	v35 =	vsub.f32 v21, v35  }
0x65: {  	v51 =	vmul.f32 v26, v23;
	v47 =	vsub.f32 v28, v47;
	v40 =	vsub.f32 v25, v40  }
0x66: {  	s22 =	sadd.s32 $0x4, s22;
	v53 =	vmul.f32 v36, v21;
	v49 =	vsub.f32 v23, v49;
	v16 =	vadd.f32 v19, v16  }
0x67: {  	p0 =	slt.u32 s22, $0x30C;
	v14 =	vadd.f32 v43, v14;
	v15 =	vadd.f32 v26, v15;
	v19 =	vmul.f32 v38, v21  }
0x68: {  	v12 =	vadd.f32 v23, v12;
	v13 =	vadd.f32 v52, v13;
	v20 =	vmul.f32 v39, v21  }
0x69: {  	v14 =	vadd.f32 v37, v14;
	v15 =	vadd.f32 v24, v15;
	v37 =	vmul.f32 v41, v28  }
0x6a: {  	v12 =	vadd.f32 v25, v12;
	v24 =	vmul.f32 v42, v28;
	v13 =	vadd.f32 v44, v13  }
0x6b: {  	v26 =	vmul.f32 v45, v28;
	v14 =	vadd.f32 v34, v14;
	v15 =	vadd.f32 v29, v15  }
0x6c: {  	v12 =	vadd.f32 v28, v12;
	v34 =	vmul.f32 v44, v25;
	v13 =	vadd.f32 v41, v13  }
0x6d: {  	v29 =	vmul.f32 v46, v25;
	v14 =	vadd.f32 v33, v14;
	v15 =	vadd.f32 v32, v15  }
0x6e: {  	v28 =	vmul.f32 v52, v23;
	v12 =	vadd.f32 v21, v12;
	v13 =	vadd.f32 v36, v13  }
0x6f: {  	v10 =	vadd.f32 v48, v10;
	v11 =	vadd.f32 v51, v11;
	v25 =	vmul.f32 v50, v25  }
0x70: {  	v8 =	vadd.f32 v30, v8;
	v21 =	vmul.f32 v48, v23;
	v9 =	vadd.f32 v28, v9  }
0x71: {  	v10 =	vadd.f32 v46, v10;
	v32 =	vmul.f32 v51, v23;
	v11 =	vadd.f32 v50, v11  }
0x72: {  	v8 =	vadd.f32 v31, v8;
	v30 =	vand.u32 $0x7FFFFFFF, v35;
	v9 =	vadd.f32 v34, v9  }
.Ltmp0:
0x73: {  	v31 =	vand.u32 $0x7FFFFFFF, v47;
	v10 =	vadd.f32 v42, v10;
	v11 =	vadd.f32 v45, v11;
	(pc) =	sbr.rel @p0 .LBB2_3-.Ltmp0, $4  }
0x74: {  	v8 =	vadd.f32 v27, v8;
	v23 =	vand.u32 $0x7FFFFFFF, v40;
	v9 =	vadd.f32 v37, v9  }
0x75: {  	v27 =	vand.u32 $0x7FFFFFFF, v49;
	v10 =	vadd.f32 v38, v10;
	v11 =	vadd.f32 v39, v11  }
0x76: {  	v8 =	vadd.f32 v22, v8;
	vm0 =	vlt.f32 v27, v1;
	v9 =	vadd.f32 v53, v9  }
0x77: {  	s23 =	sadd.s32 $0x40, s23;
	v22 =	vadd.f32 v21, v17;
	v17 =	vadd.f32 v32, v18;
	v28 =	vsel vm0, $0x3F800000, v0  }
0x78: {  	s21 =	sadd.s32 s21, s7  }
0x79: {  	s21 =	sshrl.u32 s21, $0x3  }
0x7a: {  	s21 =	sadd.s32 s1, s21  }
0x7b: {  	[tilespmem:s4], [sflag:$0x1] =	stream.linear.gather [hbm4b:s21+s4], $0x3100, $0x38;
	[tilespmem:$0x6380] =	vst v63  }
0x7c: {  	_ =	swait.ge [sflag:s15], $0x3100  }
0x7d: {  	[sflag:s15] =	ssyncset.done $0x0  }
0x7e: {  	s31 =	simm.s32 $0x3120;
	[sflag:s15] =	ssyncadd.s32 $0xFFFFCF00  }
0x7f: {  	v18 =	vld [tilespmem:s31+$0x10]  }
0x80: {  	v7 =	vadd.f32 v27, v7;
	v6 =	vadd.f32 v28, v6;
	vm0 =	vlt.f32 v23, v1;
	v21 =	vld [tilespmem:s31+$0x0]  }
0x81: {  	v27 =	vsel vm0, $0x3F800000, v0;
	v22 =	vadd.f32 v29, v22;
	v17 =	vadd.f32 v25, v17;
	v25 =	vld [tilespmem:s31+$0xFFFFFFF0]  }
0x82: {  	vm12 =	vlt.f32 v31, v1;
	v7 =	vadd.f32 v23, v7;
	v6 =	vadd.f32 v27, v6;
	v23 =	vld [tilespmem:s31+$0xFFFFFFE0]  }
0x83: {  	v27 =	vsel vm12, $0x3F800000, v0;
	v22 =	vadd.f32 v24, v22;
	v17 =	vadd.f32 v26, v17  }
0x84: {  	vm13 =	vlt.f32 v30, v1;
	v7 =	vadd.f32 v31, v7;
	v24 =	vadd.f32 v27, v6  }
0x85: {  	v26 =	vsel vm13, $0x3F800000, v0;
	v32 =	vadd.f32 v19, v22;
	v20 =	vadd.f32 v20, v17  }
0x86: {  	v6 =	vadd.f32 v30, v7;
	v22 =	vmul.f32 v21, v21;
	v33 =	vmul.f32 v18, v18  }
0x87: {  	v30 =	vmul.f32 v23, v23;
	v31 =	vmul.f32 v25, v25;
	vm14 =	vgt.f32 v18, v5  }
0x88: {  	vm1 =	vgt.f32 v21, v5;
	vm2 =	vgt.f32 v18, v3;
	vm3 =	vge.f32 v18, v4  }
0x89: {  	vm4 =	vgt.f32 v25, v5;
	vm5 =	vgt.f32 v21, v3;
	vm6 =	vge.f32 v21, v4  }
0x8a: {  	vm7 =	vgt.f32 v23, v5;
	vm8 =	vgt.f32 v25, v3;
	vm9 =	vge.f32 v25, v4  }
0x8b: {  	vm10 =	vgt.f32 v23, v3;
	vm11 =	vge.f32 v23, v4;
	v12 =	vadd.f32 v23, v12  }
0x8c: {  	v34 =	vsel vm14, $0x3F800000, v0;
	v29 =	vsel vm1, $0x3F800000, v0;
	v17 =	vsel vm2, $0x3F800000, v0  }
0x8d: {  	v35 =	vsel vm3, $0x3F800000, v0;
	v27 =	vsel vm4, $0x3F800000, v0;
	v19 =	vsel vm5, $0x3F800000, v0  }
0x8e: {  	v36 =	vsel vm6, $0x3F800000, v0;
	v28 =	vsel vm7, $0x3F800000, v0;
	v7 =	vsel vm8, $0x3F800000, v0  }
0x8f: {  	v38 =	vsel vm9, $0x3F800000, v0;
	v41 =	vsel vm10, $0x3F800000, v0;
	v37 =	vmul.f32 v17, v18  }
0x90: {  	v44 =	vsel vm11, $0x3F800000, v0;
	v39 =	vmul.f32 v35, v18;
	v40 =	vmul.f32 v34, v18  }
0x91: {  	v42 =	vmul.f32 v19, v21;
	v43 =	vmul.f32 v36, v21;
	v46 =	vadd.f32 v36, v19  }
0x92: {  	v45 =	vmul.f32 v7, v25;
	v48 =	vadd.f32 v35, v17;
	v49 =	vadd.f32 v38, v7  }
0x93: {  	v47 =	vmul.f32 v29, v21;
	v51 =	vadd.f32 v44, v41;
	v16 =	vadd.f32 v41, v16  }
0x94: {  	v50 =	vmul.f32 v38, v25;
	v14 =	vadd.f32 v44, v14;
	v15 =	vadd.f32 v28, v15  }
0x95: {  	v52 =	vmul.f32 v27, v25;
	v12 =	vadd.f32 v25, v12;
	v8 =	vadd.f32 v30, v8  }
0x96: {  	v41 =	vmul.f32 v41, v23;
	v48 =	vadd.f32 v48, v34;
	v49 =	vadd.f32 v49, v27  }
0x97: {  	v53 =	vmul.f32 v44, v23;
	v46 =	vadd.f32 v46, v29;
	v16 =	vadd.f32 v7, v16  }
0x98: {  	v59 =	vmul.f32 v28, v23;
	v51 =	vadd.f32 v51, v28;
	v7 =	vadd.f32 v26, v24  }
0x99: {  	v54 =	vmul.f32 v37, v18;
	v13 =	vadd.f32 v41, v13;
	v14 =	vadd.f32 v38, v14  }
0x9a: {  	v15 =	vadd.f32 v27, v15;
	v61 =	vmul.f32 v42, v21;
	v27 =	vmul.f32 v43, v21  }
0x9b: {  	v28 =	vmul.f32 v47, v21;
	v12 =	vadd.f32 v21, v12;
	v10 =	vadd.f32 v53, v10  }
0x9c: {  	v63 =	vmul.f32 v41, v23;
	v11 =	vadd.f32 v59, v11;
	v8 =	vadd.f32 v31, v8  }
0x9d: {  	v48 =	vmul.f32 v48, v2;
	v16 =	vadd.f32 v19, v16;
	v13 =	vadd.f32 v45, v13  }
0x9e: {  	v24 =	vmul.f32 v49, v2;
	v14 =	vadd.f32 v36, v14;
	v9 =	vadd.f32 v63, v9  }
0x9f: {  	v26 =	vmul.f32 v46, v2;
	v10 =	vadd.f32 v50, v10;
	v11 =	vadd.f32 v52, v11  }
0xa0: {  	v58 =	vmul.f32 v51, v2;
	v8 =	vadd.f32 v22, v8;
	v48 =	vsub.f32 v18, v48  }
0xa1: {  	v62 =	vmul.f32 v45, v25;
	v60 =	vsub.f32 v25, v24;
	v26 =	vsub.f32 v21, v26  }
0xa2: {  	v19 =	vmul.f32 v40, v18;
	v46 =	vsub.f32 v23, v58;
	v16 =	vadd.f32 v17, v16  }
0xa3: {  	v17 =	vmul.f32 v39, v18;
	v24 =	vadd.f32 v29, v15;
	v21 =	vadd.f32 v42, v13  }
0xa4: {  	v29 =	vmul.f32 v50, v25;
	v15 =	vadd.f32 v35, v14;
	v13 =	vadd.f32 v18, v12  }
0xa5: {  	v18 =	vmul.f32 v53, v23;
	v9 =	vadd.f32 v62, v9;
	v10 =	vadd.f32 v43, v10  }
0xa6: {  	v14 =	vadd.f32 v34, v24;
	v12 =	vadd.f32 v37, v21;
	v24 =	vmul.f32 v52, v25  }
0xa7: {  	v21 =	vmul.f32 v59, v23;
	v30 =	vand.u32 $0x7FFFFFFF, v48;
	v31 =	vand.u32 $0x7FFFFFFF, v26  }
0xa8: {  	v26 =	vadd.f32 v47, v11;
	v23 =	vand.u32 $0x7FFFFFFF, v60;
	v22 =	vadd.f32 v61, v9  }
0xa9: {  	v25 =	vand.u32 $0x7FFFFFFF, v46;
	v11 =	vadd.f32 v39, v10;
	v9 =	vadd.f32 v33, v8  }
0xaa: {  	v18 =	vadd.f32 v18, v32;
	vm15 =	vlt.f32 v25, v1;
	v10 =	vadd.f32 v40, v26  }
0xab: {  	s22 =	simm.s32 $0x3160;
	s21 =	simm.s32 $0x0;
	v8 =	vadd.f32 v54, v22;
	v22 =	vsel vm15, $0x3F800000, v0;
	v20 =	vadd.f32 v21, v20  }
.LBB2_5:
0xac: {  	v21 =	vld [tilespmem:s22+$0x10];
	v6 =	vadd.f32 v25, v6;
	v7 =	vadd.f32 v22, v7;
	vm0 =	vlt.f32 v23, v1  }
0xad: {  	v26 =	vld [tilespmem:s22+$0x0];
	v22 =	vsel vm0, $0x3F800000, v0;
	v18 =	vadd.f32 v29, v18;
	v20 =	vadd.f32 v24, v20  }
0xae: {  	vm0 =	vlt.f32 v31, v1;
	v24 =	vld [tilespmem:s22+$0xFFFFFFF0];
	v6 =	vadd.f32 v23, v6;
	v7 =	vadd.f32 v22, v7  }
0xaf: {  	v22 =	vsel vm0, $0x3F800000, v0;
	v23 =	vld [tilespmem:s22+$0xFFFFFFE0];
	v18 =	vadd.f32 v27, v18;
	v20 =	vadd.f32 v28, v20  }
0xb0: {  	vm0 =	vlt.f32 v30, v1;
	v6 =	vadd.f32 v31, v6;
	v7 =	vadd.f32 v22, v7  }
0xb1: {  	v22 =	vsel vm0, $0x3F800000, v0;
	v18 =	vadd.f32 v17, v18;
	v20 =	vadd.f32 v19, v20  }
0xb2: {  	v6 =	vadd.f32 v30, v6;
	v7 =	vadd.f32 v22, v7  }
0xb3: {  	v25 =	vmul.f32 v26, v26;
	v22 =	vmul.f32 v21, v21  }
0xb4: {  	vm0 =	vgt.f32 v21, v5;
	v31 =	vmul.f32 v24, v24;
	v30 =	vmul.f32 v23, v23  }
0xb5: {  	vm2 =	vgt.f32 v21, v3;
	vm3 =	vge.f32 v21, v4;
	vm1 =	vgt.f32 v26, v5  }
0xb6: {  	vm5 =	vgt.f32 v26, v3;
	vm6 =	vge.f32 v26, v4;
	vm4 =	vgt.f32 v24, v5  }
0xb7: {  	vm8 =	vgt.f32 v24, v3;
	vm9 =	vge.f32 v24, v4;
	vm7 =	vgt.f32 v23, v5  }
0xb8: {  	v32 =	vsel vm0, $0x3F800000, v0;
	vm10 =	vgt.f32 v23, v3;
	vm11 =	vge.f32 v23, v4  }
0xb9: {  	v17 =	vsel vm2, $0x3F800000, v0;
	v33 =	vsel vm3, $0x3F800000, v0;
	v29 =	vsel vm1, $0x3F800000, v0  }
0xba: {  	v19 =	vsel vm5, $0x3F800000, v0;
	v34 =	vsel vm6, $0x3F800000, v0;
	v27 =	vsel vm4, $0x3F800000, v0  }
0xbb: {  	v36 =	vmul.f32 v17, v21;
	v35 =	vsel vm8, $0x3F800000, v0;
	v28 =	vsel vm7, $0x3F800000, v0  }
0xbc: {  	v38 =	vmul.f32 v33, v21;
	v39 =	vmul.f32 v32, v21;
	v37 =	vsel vm9, $0x3F800000, v0  }
0xbd: {  	v41 =	vmul.f32 v19, v26;
	v42 =	vmul.f32 v34, v26;
	v40 =	vsel vm10, $0x3F800000, v0  }
0xbe: {  	v45 =	vmul.f32 v29, v26;
	v43 =	vsel vm11, $0x3F800000, v0;
	v44 =	vmul.f32 v35, v24  }
0xbf: {  	v48 =	vadd.f32 v33, v17;
	v47 =	vadd.f32 v34, v19;
	v46 =	vmul.f32 v37, v24  }
0xc0: {  	v50 =	vmul.f32 v27, v24;
	v51 =	vadd.f32 v37, v35;
	v49 =	vadd.f32 v43, v40  }
0xc1: {  	v52 =	vmul.f32 v40, v23;
	v16 =	vadd.f32 v40, v16;
	v40 =	vadd.f32 v48, v32  }
0xc2: {  	v48 =	vmul.f32 v43, v23;
	v47 =	vadd.f32 v47, v29;
	v51 =	vadd.f32 v51, v27  }
0xc3: {  	v49 =	vadd.f32 v49, v28;
	v16 =	vadd.f32 v35, v16;
	v35 =	vmul.f32 v40, v2  }
0xc4: {  	v47 =	vmul.f32 v47, v2;
	v40 =	vmul.f32 v51, v2  }
0xc5: {  	v49 =	vmul.f32 v49, v2;
	v16 =	vadd.f32 v19, v16;
	v35 =	vsub.f32 v21, v35  }
0xc6: {  	v51 =	vmul.f32 v28, v23;
	v47 =	vsub.f32 v26, v47;
	v40 =	vsub.f32 v24, v40  }
0xc7: {  	s21 =	sadd.s32 $0x4, s21;
	v53 =	vmul.f32 v36, v21;
	v49 =	vsub.f32 v23, v49;
	v16 =	vadd.f32 v17, v16  }
0xc8: {  	p0 =	slt.u32 s21, $0x30C;
	v15 =	vadd.f32 v43, v15;
	v14 =	vadd.f32 v28, v14;
	v17 =	vmul.f32 v38, v21  }
0xc9: {  	v13 =	vadd.f32 v23, v13;
	v12 =	vadd.f32 v52, v12;
	v19 =	vmul.f32 v39, v21  }
0xca: {  	v15 =	vadd.f32 v37, v15;
	v14 =	vadd.f32 v27, v14;
	v37 =	vmul.f32 v41, v26  }
0xcb: {  	v13 =	vadd.f32 v24, v13;
	v27 =	vmul.f32 v42, v26;
	v12 =	vadd.f32 v44, v12  }
0xcc: {  	v28 =	vmul.f32 v45, v26;
	v15 =	vadd.f32 v34, v15;
	v14 =	vadd.f32 v29, v14  }
0xcd: {  	v13 =	vadd.f32 v26, v13;
	v34 =	vmul.f32 v44, v24;
	v12 =	vadd.f32 v41, v12  }
0xce: {  	v29 =	vmul.f32 v46, v24;
	v15 =	vadd.f32 v33, v15;
	v14 =	vadd.f32 v32, v14  }
0xcf: {  	v26 =	vmul.f32 v52, v23;
	v13 =	vadd.f32 v21, v13;
	v12 =	vadd.f32 v36, v12  }
0xd0: {  	v11 =	vadd.f32 v48, v11;
	v10 =	vadd.f32 v51, v10;
	v24 =	vmul.f32 v50, v24  }
0xd1: {  	v9 =	vadd.f32 v30, v9;
	v21 =	vmul.f32 v48, v23;
	v8 =	vadd.f32 v26, v8  }
0xd2: {  	v11 =	vadd.f32 v46, v11;
	v26 =	vmul.f32 v51, v23;
	v10 =	vadd.f32 v50, v10  }
0xd3: {  	v9 =	vadd.f32 v31, v9;
	v30 =	vand.u32 $0x7FFFFFFF, v35;
	v8 =	vadd.f32 v34, v8  }
.Ltmp1:
0xd4: {  	v31 =	vand.u32 $0x7FFFFFFF, v47;
	v11 =	vadd.f32 v42, v11;
	v10 =	vadd.f32 v45, v10;
	(pc) =	sbr.rel @p0 .LBB2_5-.Ltmp1, $4  }
0xd5: {  	v9 =	vadd.f32 v25, v9;
	v23 =	vand.u32 $0x7FFFFFFF, v40;
	v8 =	vadd.f32 v37, v8  }
0xd6: {  	v25 =	vand.u32 $0x7FFFFFFF, v49;
	v11 =	vadd.f32 v38, v11;
	v10 =	vadd.f32 v39, v10  }
0xd7: {  	v9 =	vadd.f32 v22, v9;
	vm0 =	vlt.f32 v25, v1;
	v8 =	vadd.f32 v53, v8  }
0xd8: {  	s22 =	sadd.s32 $0x40, s22;
	v18 =	vadd.f32 v21, v18;
	v20 =	vadd.f32 v26, v20;
	v22 =	vsel vm0, $0x3F800000, v0  }
0xd9: {  	v6 =	vadd.f32 v25, v6;
	v7 =	vadd.f32 v22, v7;
	vm0 =	vlt.f32 v23, v1  }
0xda: {  	s20 =	sadd.s32 $0x1, s20;
	v21 =	vsel vm0, $0x3F800000, v0  }
0xdb: {  	vm14 =	vlt.f32 v31, v1;
	p0 =	sne.s32 s20, $0x3;
	v6 =	vadd.f32 v23, v6;
	v7 =	vadd.f32 v21, v7  }
.Ltmp2:
0xdc: {  	v18 =	vadd.f32 v29, v18;
	v20 =	vadd.f32 v24, v20;
	v62 =	vsel vm14, $0x3F800000, v0;
	(pc) =	sbr.rel @p0 .LBB2_2-.Ltmp2, $4  }
0xdd: {  	vm15 =	vlt.f32 v30, v1;
	v6 =	vadd.f32 v31, v6;
	v21 =	vadd.f32 v62, v7  }
0xde: {  	v63 =	vsel vm15, $0x3F800000, v0;
	v18 =	vadd.f32 v27, v18;
	v20 =	vadd.f32 v28, v20  }
0xdf: {  	v7 =	vadd.f32 v30, v6;
	v6 =	vadd.f32 v63, v21  }
0xe0: {  	v18 =	vadd.f32 v17, v18;
	v17 =	vadd.f32 v19, v20  }
0xe1: {  	[tilespmem:s13], [sflag:$0x2] =	stream.linear.gather [hbm4b:s8+s4], $0x3100, $0x38;
	[tilespmem:$0x6380] =	vst v63  }
0xe2: {  	_ =	swait.ge [sflag:s14], $0x3100  }
0xe3: {  	[sflag:s14] =	ssyncset.done $0x0  }
0xe4: {  	s20 =	simm.s32 $0x20;
	[sflag:s14] =	ssyncadd.s32 $0xFFFFCF00  }
0xe5: {  	v21 =	vld [tilespmem:s20+$0x10]  }
0xe6: {  	v22 =	vld [tilespmem:s20+$0x0]  }
0xe7: {  	v23 =	vld [tilespmem:s20+$0xFFFFFFF0]  }
0xe8: {  	v25 =	vld [tilespmem:s20+$0xFFFFFFE0];
	_ =	sdelay $0x3  }
0xe9: {  	v28 =	vmul.f32 v22, v22;
	v32 =	vmul.f32 v21, v21  }
0xea: {  	v30 =	vmul.f32 v25, v25;
	v31 =	vmul.f32 v23, v23  }
0xeb: {  	vm0 =	vgt.f32 v21, v5;
	vm1 =	vgt.f32 v22, v5;
	vm2 =	vgt.f32 v21, v3  }
0xec: {  	vm3 =	vge.f32 v21, v4;
	vm4 =	vgt.f32 v23, v5;
	vm5 =	vgt.f32 v22, v3  }
0xed: {  	vm6 =	vge.f32 v22, v4;
	vm7 =	vgt.f32 v25, v5;
	vm8 =	vgt.f32 v23, v3  }
0xee: {  	vm9 =	vge.f32 v23, v4;
	vm10 =	vgt.f32 v25, v3;
	vm11 =	vge.f32 v25, v4  }
0xef: {  	v13 =	vadd.f32 v25, v13;
	v24 =	vsel vm0, $0x3F800000, v0;
	v29 =	vsel vm1, $0x3F800000, v0  }
0xf0: {  	v19 =	vsel vm2, $0x3F800000, v0;
	v33 =	vsel vm3, $0x3F800000, v0;
	v26 =	vsel vm4, $0x3F800000, v0  }
0xf1: {  	v20 =	vsel vm5, $0x3F800000, v0;
	v34 =	vsel vm6, $0x3F800000, v0;
	v27 =	vsel vm7, $0x3F800000, v0  }
0xf2: {  	v35 =	vsel vm8, $0x3F800000, v0;
	v37 =	vsel vm9, $0x3F800000, v0;
	v36 =	vmul.f32 v19, v21  }
0xf3: {  	v40 =	vsel vm10, $0x3F800000, v0;
	v38 =	vmul.f32 v33, v21;
	v39 =	vmul.f32 v24, v21  }
0xf4: {  	v43 =	vsel vm11, $0x3F800000, v0;
	v41 =	vmul.f32 v20, v22;
	v42 =	vmul.f32 v34, v22  }
0xf5: {  	v44 =	vmul.f32 v35, v23;
	v47 =	vadd.f32 v34, v20;
	v48 =	vadd.f32 v33, v19  }
0xf6: {  	v45 =	vmul.f32 v29, v22;
	v49 =	vadd.f32 v43, v40;
	v51 =	vadd.f32 v37, v35  }
0xf7: {  	v46 =	vmul.f32 v37, v23;
	v16 =	vadd.f32 v40, v16;
	v15 =	vadd.f32 v43, v15  }
0xf8: {  	v50 =	vmul.f32 v26, v23;
	v14 =	vadd.f32 v27, v14;
	v13 =	vadd.f32 v23, v13  }
0xf9: {  	v52 =	vmul.f32 v40, v25;
	v9 =	vadd.f32 v30, v9;
	v62 =	vadd.f32 v48, v24  }
0xfa: {  	v63 =	vmul.f32 v43, v25;
	v51 =	vadd.f32 v51, v26;
	v47 =	vadd.f32 v47, v29  }
0xfb: {  	v58 =	vmul.f32 v27, v25;
	v49 =	vadd.f32 v49, v27;
	v16 =	vadd.f32 v35, v16  }
0xfc: {  	v53 =	vmul.f32 v36, v21;
	v12 =	vadd.f32 v52, v12;
	v15 =	vadd.f32 v37, v15  }
0xfd: {  	v14 =	vadd.f32 v26, v14;
	v59 =	vmul.f32 v41, v22;
	v26 =	vmul.f32 v42, v22  }
0xfe: {  	v27 =	vmul.f32 v45, v22;
	v13 =	vadd.f32 v22, v13;
	v11 =	vadd.f32 v63, v11  }
0xff: {  	v61 =	vmul.f32 v44, v23;
	v10 =	vadd.f32 v58, v10;
	v9 =	vadd.f32 v31, v9  }
0x100: {  	v56 =	vmul.f32 v62, v2;
	v16 =	vadd.f32 v20, v16;
	v12 =	vadd.f32 v44, v12  }
0x101: {  	v57 =	vmul.f32 v51, v2;
	v15 =	vadd.f32 v34, v15;
	v60 =	vadd.f32 v29, v14  }
0x102: {  	v47 =	vmul.f32 v47, v2;
	v11 =	vadd.f32 v46, v11;
	v10 =	vadd.f32 v50, v10  }
0x103: {  	v49 =	vmul.f32 v49, v2;
	v9 =	vadd.f32 v28, v9;
	v35 =	vsub.f32 v21, v56  }
0x104: {  	v20 =	vmul.f32 v39, v21;
	v40 =	vsub.f32 v23, v57;
	v47 =	vsub.f32 v22, v47  }
0x105: {  	v29 =	vmul.f32 v46, v23;
	v49 =	vsub.f32 v25, v49;
	v16 =	vadd.f32 v19, v16  }
0x106: {  	v62 =	vmul.f32 v52, v25;
	v22 =	vadd.f32 v41, v12;
	v14 =	vadd.f32 v33, v15  }
0x107: {  	v19 =	vmul.f32 v38, v21;
	v15 =	vadd.f32 v24, v60;
	v12 =	vadd.f32 v21, v13  }
0x108: {  	v24 =	vmul.f32 v50, v23;
	v21 =	vmul.f32 v63, v25;
	v8 =	vadd.f32 v62, v8  }
0x109: {  	v63 =	vmul.f32 v58, v25;
	v11 =	vadd.f32 v42, v11;
	v13 =	vadd.f32 v36, v22  }
0x10a: {  	v8 =	vadd.f32 v61, v8;
	v30 =	vand.u32 $0x7FFFFFFF, v35;
	v31 =	vand.u32 $0x7FFFFFFF, v47  }
0x10b: {  	v22 =	vadd.f32 v45, v10;
	v23 =	vand.u32 $0x7FFFFFFF, v40;
	v10 =	vadd.f32 v38, v11  }
0x10c: {  	v25 =	vand.u32 $0x7FFFFFFF, v49;
	v17 =	vadd.f32 v63, v17;
	v28 =	vadd.f32 v59, v8  }
0x10d: {  	vm15 =	vlt.f32 v25, v1;
	v11 =	vadd.f32 v39, v22;
	v8 =	vadd.f32 v32, v9  }
0x10e: {  	s21 =	simm.s32 $0x60;
	s20 =	simm.s32 $0x0;
	v22 =	vadd.f32 v21, v18;
	v9 =	vadd.f32 v53, v28;
	v28 =	vsel vm15, $0x3F800000, v0  }
.LBB2_8:
0x10f: {  	v21 =	vld [tilespmem:s21+$0x10];
	v7 =	vadd.f32 v25, v7;
	v6 =	vadd.f32 v28, v6;
	vm0 =	vlt.f32 v23, v1  }
0x110: {  	v28 =	vld [tilespmem:s21+$0x0];
	v18 =	vsel vm0, $0x3F800000, v0;
	v22 =	vadd.f32 v29, v22;
	v17 =	vadd.f32 v24, v17  }
0x111: {  	vm0 =	vlt.f32 v31, v1;
	v24 =	vld [tilespmem:s21+$0xFFFFFFF0];
	v7 =	vadd.f32 v23, v7;
	v6 =	vadd.f32 v18, v6  }
0x112: {  	v18 =	vsel vm0, $0x3F800000, v0;
	v23 =	vld [tilespmem:s21+$0xFFFFFFE0];
	v22 =	vadd.f32 v26, v22;
	v25 =	vadd.f32 v27, v17  }
0x113: {  	vm0 =	vlt.f32 v30, v1;
	v7 =	vadd.f32 v31, v7;
	v6 =	vadd.f32 v18, v6  }
0x114: {  	v26 =	vsel vm0, $0x3F800000, v0;
	v17 =	vadd.f32 v19, v22;
	v18 =	vadd.f32 v20, v25  }
0x115: {  	v7 =	vadd.f32 v30, v7;
	v6 =	vadd.f32 v26, v6  }
0x116: {  	v22 =	vmul.f32 v21, v21;
	v25 =	vmul.f32 v28, v28  }
0x117: {  	vm0 =	vgt.f32 v21, v5;
	v31 =	vmul.f32 v24, v24;
	v30 =	vmul.f32 v23, v23  }
0x118: {  	vm2 =	vgt.f32 v21, v3;
	vm3 =	vge.f32 v21, v4;
	vm1 =	vgt.f32 v28, v5  }
0x119: {  	vm5 =	vgt.f32 v28, v3;
	vm6 =	vge.f32 v28, v4;
	vm4 =	vgt.f32 v24, v5  }
0x11a: {  	vm8 =	vgt.f32 v24, v3;
	vm9 =	vge.f32 v24, v4;
	vm7 =	vgt.f32 v23, v5  }
0x11b: {  	v32 =	vsel vm0, $0x3F800000, v0;
	vm10 =	vgt.f32 v23, v3;
	vm11 =	vge.f32 v23, v4  }
0x11c: {  	v19 =	vsel vm2, $0x3F800000, v0;
	v33 =	vsel vm3, $0x3F800000, v0;
	v29 =	vsel vm1, $0x3F800000, v0  }
0x11d: {  	v20 =	vsel vm5, $0x3F800000, v0;
	v34 =	vsel vm6, $0x3F800000, v0;
	v26 =	vsel vm4, $0x3F800000, v0  }
0x11e: {  	v36 =	vmul.f32 v19, v21;
	v35 =	vsel vm8, $0x3F800000, v0;
	v27 =	vsel vm7, $0x3F800000, v0  }
0x11f: {  	v38 =	vmul.f32 v33, v21;
	v39 =	vmul.f32 v32, v21;
	v37 =	vsel vm9, $0x3F800000, v0  }
0x120: {  	v41 =	vmul.f32 v20, v28;
	v42 =	vmul.f32 v34, v28;
	v40 =	vsel vm10, $0x3F800000, v0  }
0x121: {  	v45 =	vmul.f32 v29, v28;
	v43 =	vsel vm11, $0x3F800000, v0;
	v44 =	vmul.f32 v35, v24  }
0x122: {  	v48 =	vadd.f32 v33, v19;
	v47 =	vadd.f32 v34, v20;
	v46 =	vmul.f32 v37, v24  }
0x123: {  	v50 =	vmul.f32 v26, v24;
	v51 =	vadd.f32 v37, v35;
	v49 =	vadd.f32 v43, v40  }
0x124: {  	v52 =	vmul.f32 v40, v23;
	v16 =	vadd.f32 v40, v16;
	v40 =	vadd.f32 v48, v32  }
0x125: {  	v48 =	vmul.f32 v43, v23;
	v47 =	vadd.f32 v47, v29;
	v51 =	vadd.f32 v51, v26  }
0x126: {  	v49 =	vadd.f32 v49, v27;
	v16 =	vadd.f32 v35, v16;
	v35 =	vmul.f32 v40, v2  }
0x127: {  	v47 =	vmul.f32 v47, v2;
	v40 =	vmul.f32 v51, v2  }
0x128: {  	v49 =	vmul.f32 v49, v2;
	v16 =	vadd.f32 v20, v16;
	v35 =	vsub.f32 v21, v35  }
0x129: {  	v51 =	vmul.f32 v27, v23;
	v47 =	vsub.f32 v28, v47;
	v40 =	vsub.f32 v24, v40  }
0x12a: {  	s20 =	sadd.s32 $0x4, s20;
	v53 =	vmul.f32 v36, v21;
	v49 =	vsub.f32 v23, v49;
	v16 =	vadd.f32 v19, v16  }
0x12b: {  	p0 =	slt.u32 s20, $0x30C;
	v14 =	vadd.f32 v43, v14;
	v15 =	vadd.f32 v27, v15;
	v19 =	vmul.f32 v38, v21  }
0x12c: {  	v12 =	vadd.f32 v23, v12;
	v13 =	vadd.f32 v52, v13;
	v20 =	vmul.f32 v39, v21  }
0x12d: {  	v14 =	vadd.f32 v37, v14;
	v15 =	vadd.f32 v26, v15;
	v37 =	vmul.f32 v41, v28  }
0x12e: {  	v12 =	vadd.f32 v24, v12;
	v26 =	vmul.f32 v42, v28;
	v13 =	vadd.f32 v44, v13  }
0x12f: {  	v27 =	vmul.f32 v45, v28;
	v14 =	vadd.f32 v34, v14;
	v15 =	vadd.f32 v29, v15  }
0x130: {  	v12 =	vadd.f32 v28, v12;
	v34 =	vmul.f32 v44, v24;
	v13 =	vadd.f32 v41, v13  }
0x131: {  	v29 =	vmul.f32 v46, v24;
	v14 =	vadd.f32 v33, v14;
	v15 =	vadd.f32 v32, v15  }
0x132: {  	v28 =	vmul.f32 v52, v23;
	v12 =	vadd.f32 v21, v12;
	v13 =	vadd.f32 v36, v13  }
0x133: {  	v10 =	vadd.f32 v48, v10;
	v11 =	vadd.f32 v51, v11;
	v24 =	vmul.f32 v50, v24  }
0x134: {  	v8 =	vadd.f32 v30, v8;
	v21 =	vmul.f32 v48, v23;
	v9 =	vadd.f32 v28, v9  }
0x135: {  	v10 =	vadd.f32 v46, v10;
	v32 =	vmul.f32 v51, v23;
	v11 =	vadd.f32 v50, v11  }
0x136: {  	v8 =	vadd.f32 v31, v8;
	v30 =	vand.u32 $0x7FFFFFFF, v35;
	v9 =	vadd.f32 v34, v9  }
.Ltmp3:
0x137: {  	v31 =	vand.u32 $0x7FFFFFFF, v47;
	v10 =	vadd.f32 v42, v10;
	v11 =	vadd.f32 v45, v11;
	(pc) =	sbr.rel @p0 .LBB2_8-.Ltmp3, $4  }
0x138: {  	v8 =	vadd.f32 v25, v8;
	v23 =	vand.u32 $0x7FFFFFFF, v40;
	v9 =	vadd.f32 v37, v9  }
0x139: {  	v25 =	vand.u32 $0x7FFFFFFF, v49;
	v10 =	vadd.f32 v38, v10;
	v11 =	vadd.f32 v39, v11  }
0x13a: {  	v8 =	vadd.f32 v22, v8;
	vm0 =	vlt.f32 v25, v1;
	v9 =	vadd.f32 v53, v9  }
0x13b: {  	s21 =	sadd.s32 $0x40, s21;
	v22 =	vadd.f32 v21, v17;
	v17 =	vadd.f32 v32, v18;
	v28 =	vsel vm0, $0x3F800000, v0  }
0x13c: {  	_ =	swait.ge [sflag:s15], $0x3100  }
0x13d: {  	[sflag:s15] =	ssyncset.done $0x0  }
0x13e: {  	s20 =	simm.s32 $0x3120;
	[sflag:s15] =	ssyncadd.s32 $0xFFFFCF00  }
0x13f: {  	v21 =	vld [tilespmem:s20+$0x10]  }
0x140: {  	v7 =	vadd.f32 v25, v7;
	v6 =	vadd.f32 v28, v6;
	vm0 =	vlt.f32 v23, v1;
	v25 =	vld [tilespmem:s20+$0x0]  }
0x141: {  	v18 =	vsel vm0, $0x3F800000, v0;
	v22 =	vadd.f32 v29, v22;
	v17 =	vadd.f32 v24, v17;
	v24 =	vld [tilespmem:s20+$0xFFFFFFF0]  }
0x142: {  	vm12 =	vlt.f32 v31, v1;
	v7 =	vadd.f32 v23, v7;
	v6 =	vadd.f32 v18, v6;
	v23 =	vld [tilespmem:s20+$0xFFFFFFE0]  }
0x143: {  	v18 =	vsel vm12, $0x3F800000, v0;
	v22 =	vadd.f32 v26, v22;
	v17 =	vadd.f32 v27, v17  }
0x144: {  	vm13 =	vlt.f32 v30, v1;
	v7 =	vadd.f32 v31, v7;
	v18 =	vadd.f32 v18, v6  }
0x145: {  	v26 =	vsel vm13, $0x3F800000, v0;
	v19 =	vadd.f32 v19, v22;
	v20 =	vadd.f32 v20, v17  }
0x146: {  	v6 =	vadd.f32 v30, v7;
	v22 =	vmul.f32 v25, v25;
	v27 =	vmul.f32 v21, v21  }
0x147: {  	v29 =	vmul.f32 v23, v23;
	v31 =	vmul.f32 v24, v24;
	vm14 =	vgt.f32 v21, v5  }
0x148: {  	vm1 =	vgt.f32 v25, v5;
	vm2 =	vgt.f32 v21, v3;
	vm3 =	vge.f32 v21, v4  }
0x149: {  	vm4 =	vgt.f32 v24, v5;
	vm5 =	vgt.f32 v25, v3;
	vm6 =	vge.f32 v25, v4  }
0x14a: {  	vm7 =	vgt.f32 v23, v5;
	vm8 =	vgt.f32 v24, v3;
	vm9 =	vge.f32 v24, v4  }
0x14b: {  	vm10 =	vgt.f32 v23, v3;
	vm11 =	vge.f32 v23, v4;
	v12 =	vadd.f32 v23, v12  }
0x14c: {  	v32 =	vsel vm14, $0x3F800000, v0;
	v30 =	vsel vm1, $0x3F800000, v0;
	v17 =	vsel vm2, $0x3F800000, v0  }
0x14d: {  	v33 =	vsel vm3, $0x3F800000, v0;
	v28 =	vsel vm4, $0x3F800000, v0;
	v34 =	vsel vm5, $0x3F800000, v0  }
0x14e: {  	v35 =	vsel vm6, $0x3F800000, v0;
	v36 =	vsel vm7, $0x3F800000, v0;
	v7 =	vsel vm8, $0x3F800000, v0  }
0x14f: {  	v38 =	vsel vm9, $0x3F800000, v0;
	v41 =	vsel vm10, $0x3F800000, v0;
	v37 =	vmul.f32 v17, v21  }
0x150: {  	v44 =	vsel vm11, $0x3F800000, v0;
	v39 =	vmul.f32 v33, v21;
	v40 =	vmul.f32 v32, v21  }
0x151: {  	v42 =	vmul.f32 v34, v25;
	v43 =	vmul.f32 v35, v25;
	v46 =	vadd.f32 v35, v34  }
0x152: {  	v45 =	vmul.f32 v7, v24;
	v48 =	vadd.f32 v33, v17;
	v49 =	vadd.f32 v38, v7  }
0x153: {  	v47 =	vmul.f32 v30, v25;
	v51 =	vadd.f32 v44, v41;
	v16 =	vadd.f32 v41, v16  }
0x154: {  	v50 =	vmul.f32 v38, v24;
	v14 =	vadd.f32 v44, v14;
	v15 =	vadd.f32 v36, v15  }
0x155: {  	v52 =	vmul.f32 v28, v24;
	v12 =	vadd.f32 v24, v12;
	v8 =	vadd.f32 v29, v8  }
0x156: {  	v41 =	vmul.f32 v41, v23;
	v48 =	vadd.f32 v48, v32;
	v49 =	vadd.f32 v49, v28  }
0x157: {  	v53 =	vmul.f32 v44, v23;
	v46 =	vadd.f32 v46, v30;
	v16 =	vadd.f32 v7, v16  }
0x158: {  	v57 =	vmul.f32 v36, v23;
	v51 =	vadd.f32 v51, v36;
	v7 =	vadd.f32 v26, v18  }
0x159: {  	v54 =	vmul.f32 v37, v21;
	v13 =	vadd.f32 v41, v13;
	v14 =	vadd.f32 v38, v14  }
0x15a: {  	v15 =	vadd.f32 v28, v15;
	v59 =	vmul.f32 v42, v25;
	v12 =	vadd.f32 v25, v12  }
0x15b: {  	v28 =	vmul.f32 v43, v25;
	v10 =	vadd.f32 v53, v10;
	v11 =	vadd.f32 v57, v11  }
0x15c: {  	v61 =	vmul.f32 v41, v23;
	v8 =	vadd.f32 v31, v8;
	v16 =	vadd.f32 v34, v16  }
0x15d: {  	v48 =	vmul.f32 v48, v2;
	v13 =	vadd.f32 v45, v13;
	v14 =	vadd.f32 v35, v14  }
0x15e: {  	v18 =	vmul.f32 v49, v2;
	v15 =	vadd.f32 v30, v15;
	v9 =	vadd.f32 v61, v9  }
0x15f: {  	v26 =	vmul.f32 v46, v2;
	v10 =	vadd.f32 v50, v10;
	v11 =	vadd.f32 v52, v11  }
0x160: {  	v62 =	vmul.f32 v51, v2;
	v8 =	vadd.f32 v22, v8;
	v63 =	vsub.f32 v21, v48  }
0x161: {  	v60 =	vmul.f32 v45, v24;
	v49 =	vsub.f32 v24, v18;
	v58 =	vsub.f32 v25, v26  }
0x162: {  	v30 =	vmul.f32 v50, v24;
	v46 =	vsub.f32 v23, v62;
	v16 =	vadd.f32 v17, v16  }
0x163: {  	v17 =	vmul.f32 v39, v21;
	v26 =	vmul.f32 v47, v25;
	v25 =	vadd.f32 v42, v13  }
0x164: {  	v18 =	vmul.f32 v40, v21;
	v14 =	vadd.f32 v33, v14;
	v15 =	vadd.f32 v32, v15  }
0x165: {  	v13 =	vadd.f32 v21, v12;
	v24 =	vmul.f32 v52, v24;
	v21 =	vmul.f32 v53, v23  }
0x166: {  	v62 =	vmul.f32 v57, v23;
	v9 =	vadd.f32 v60, v9;
	v10 =	vadd.f32 v43, v10  }
0x167: {  	v12 =	vadd.f32 v37, v25;
	v29 =	vand.u32 $0x7FFFFFFF, v63;
	v31 =	vand.u32 $0x7FFFFFFF, v58  }
0x168: {  	v63 =	vadd.f32 v47, v11;
	v23 =	vand.u32 $0x7FFFFFFF, v49;
	v22 =	vadd.f32 v59, v9  }
0x169: {  	v25 =	vand.u32 $0x7FFFFFFF, v46;
	v11 =	vadd.f32 v39, v10;
	v9 =	vadd.f32 v27, v8  }
0x16a: {  	vm15 =	vlt.f32 v25, v1;
	v10 =	vadd.f32 v40, v63;
	v8 =	vadd.f32 v54, v22  }
0x16b: {  	s21 =	simm.s32 $0x3160;
	s20 =	simm.s32 $0x0;
	v27 =	vsel vm15, $0x3F800000, v0;
	v22 =	vadd.f32 v21, v19;
	v19 =	vadd.f32 v62, v20  }
.LBB2_10:
0x16c: {  	v21 =	vld [tilespmem:s21+$0x10];
	v6 =	vadd.f32 v25, v6;
	v7 =	vadd.f32 v27, v7;
	vm0 =	vlt.f32 v23, v1  }
0x16d: {  	v27 =	vld [tilespmem:s21+$0x0];
	v20 =	vsel vm0, $0x3F800000, v0;
	v22 =	vadd.f32 v30, v22;
	v19 =	vadd.f32 v24, v19  }
0x16e: {  	vm0 =	vlt.f32 v31, v1;
	v24 =	vld [tilespmem:s21+$0xFFFFFFF0];
	v6 =	vadd.f32 v23, v6;
	v7 =	vadd.f32 v20, v7  }
0x16f: {  	v20 =	vsel vm0, $0x3F800000, v0;
	v23 =	vld [tilespmem:s21+$0xFFFFFFE0];
	v22 =	vadd.f32 v28, v22;
	v25 =	vadd.f32 v26, v19  }
0x170: {  	vm0 =	vlt.f32 v29, v1;
	v6 =	vadd.f32 v31, v6;
	v7 =	vadd.f32 v20, v7  }
0x171: {  	v26 =	vsel vm0, $0x3F800000, v0;
	v19 =	vadd.f32 v17, v22;
	v20 =	vadd.f32 v18, v25  }
0x172: {  	v6 =	vadd.f32 v29, v6;
	v7 =	vadd.f32 v26, v7  }
0x173: {  	v22 =	vmul.f32 v21, v21;
	v25 =	vmul.f32 v27, v27  }
0x174: {  	vm0 =	vgt.f32 v21, v5;
	v31 =	vmul.f32 v24, v24;
	v29 =	vmul.f32 v23, v23  }
0x175: {  	vm2 =	vgt.f32 v21, v3;
	vm3 =	vge.f32 v21, v4;
	vm1 =	vgt.f32 v27, v5  }
0x176: {  	vm5 =	vgt.f32 v27, v3;
	vm6 =	vge.f32 v27, v4;
	vm4 =	vgt.f32 v24, v5  }
0x177: {  	vm8 =	vgt.f32 v24, v3;
	vm9 =	vge.f32 v24, v4;
	vm7 =	vgt.f32 v23, v5  }
0x178: {  	v32 =	vsel vm0, $0x3F800000, v0;
	vm10 =	vgt.f32 v23, v3;
	vm11 =	vge.f32 v23, v4  }
0x179: {  	v17 =	vsel vm2, $0x3F800000, v0;
	v33 =	vsel vm3, $0x3F800000, v0;
	v30 =	vsel vm1, $0x3F800000, v0  }
0x17a: {  	v18 =	vsel vm5, $0x3F800000, v0;
	v34 =	vsel vm6, $0x3F800000, v0;
	v26 =	vsel vm4, $0x3F800000, v0  }
0x17b: {  	v36 =	vmul.f32 v17, v21;
	v35 =	vsel vm8, $0x3F800000, v0;
	v28 =	vsel vm7, $0x3F800000, v0  }
0x17c: {  	v38 =	vmul.f32 v33, v21;
	v39 =	vmul.f32 v32, v21;
	v37 =	vsel vm9, $0x3F800000, v0  }
0x17d: {  	v41 =	vmul.f32 v18, v27;
	v42 =	vmul.f32 v34, v27;
	v40 =	vsel vm10, $0x3F800000, v0  }
0x17e: {  	v45 =	vmul.f32 v30, v27;
	v43 =	vsel vm11, $0x3F800000, v0;
	v44 =	vmul.f32 v35, v24  }
0x17f: {  	v48 =	vadd.f32 v33, v17;
	v47 =	vadd.f32 v34, v18;
	v46 =	vmul.f32 v37, v24  }
0x180: {  	v50 =	vmul.f32 v26, v24;
	v51 =	vadd.f32 v37, v35;
	v49 =	vadd.f32 v43, v40  }
0x181: {  	v52 =	vmul.f32 v40, v23;
	v16 =	vadd.f32 v40, v16;
	v40 =	vadd.f32 v48, v32  }
0x182: {  	v48 =	vmul.f32 v43, v23;
	v47 =	vadd.f32 v47, v30;
	v51 =	vadd.f32 v51, v26  }
0x183: {  	v49 =	vadd.f32 v49, v28;
	v16 =	vadd.f32 v35, v16;
	v35 =	vmul.f32 v40, v2  }
0x184: {  	v47 =	vmul.f32 v47, v2;
	v40 =	vmul.f32 v51, v2  }
0x185: {  	v49 =	vmul.f32 v49, v2;
	v16 =	vadd.f32 v18, v16;
	v35 =	vsub.f32 v21, v35  }
0x186: {  	v51 =	vmul.f32 v28, v23;
	v47 =	vsub.f32 v27, v47;
	v40 =	vsub.f32 v24, v40  }
0x187: {  	s20 =	sadd.s32 $0x4, s20;
	v53 =	vmul.f32 v36, v21;
	v49 =	vsub.f32 v23, v49;
	v16 =	vadd.f32 v17, v16  }
0x188: {  	p0 =	slt.u32 s20, $0x30C;
	v14 =	vadd.f32 v43, v14;
	v15 =	vadd.f32 v28, v15;
	v17 =	vmul.f32 v38, v21  }
0x189: {  	v13 =	vadd.f32 v23, v13;
	v12 =	vadd.f32 v52, v12;
	v18 =	vmul.f32 v39, v21  }
0x18a: {  	v14 =	vadd.f32 v37, v14;
	v15 =	vadd.f32 v26, v15;
	v37 =	vmul.f32 v41, v27  }
0x18b: {  	v13 =	vadd.f32 v24, v13;
	v28 =	vmul.f32 v42, v27;
	v12 =	vadd.f32 v44, v12  }
0x18c: {  	v26 =	vmul.f32 v45, v27;
	v14 =	vadd.f32 v34, v14;
	v15 =	vadd.f32 v30, v15  }
0x18d: {  	v13 =	vadd.f32 v27, v13;
	v34 =	vmul.f32 v44, v24;
	v12 =	vadd.f32 v41, v12  }
0x18e: {  	v30 =	vmul.f32 v46, v24;
	v14 =	vadd.f32 v33, v14;
	v15 =	vadd.f32 v32, v15  }
0x18f: {  	v27 =	vmul.f32 v52, v23;
	v13 =	vadd.f32 v21, v13;
	v12 =	vadd.f32 v36, v12  }
0x190: {  	v11 =	vadd.f32 v48, v11;
	v10 =	vadd.f32 v51, v10;
	v24 =	vmul.f32 v50, v24  }
0x191: {  	v9 =	vadd.f32 v29, v9;
	v21 =	vmul.f32 v48, v23;
	v8 =	vadd.f32 v27, v8  }
0x192: {  	v11 =	vadd.f32 v46, v11;
	v32 =	vmul.f32 v51, v23;
	v10 =	vadd.f32 v50, v10  }
0x193: {  	v9 =	vadd.f32 v31, v9;
	v29 =	vand.u32 $0x7FFFFFFF, v35;
	v8 =	vadd.f32 v34, v8  }
.Ltmp4:
0x194: {  	v31 =	vand.u32 $0x7FFFFFFF, v47;
	v11 =	vadd.f32 v42, v11;
	v10 =	vadd.f32 v45, v10;
	(pc) =	sbr.rel @p0 .LBB2_10-.Ltmp4, $4  }
0x195: {  	v9 =	vadd.f32 v25, v9;
	v23 =	vand.u32 $0x7FFFFFFF, v40;
	v8 =	vadd.f32 v37, v8  }
0x196: {  	v25 =	vand.u32 $0x7FFFFFFF, v49;
	v11 =	vadd.f32 v38, v11;
	v10 =	vadd.f32 v39, v10  }
0x197: {  	v9 =	vadd.f32 v22, v9;
	vm0 =	vlt.f32 v25, v1;
	v8 =	vadd.f32 v53, v8  }
0x198: {  	s21 =	sadd.s32 $0x40, s21;
	v22 =	vadd.f32 v21, v19;
	v19 =	vadd.f32 v32, v20;
	v27 =	vsel vm0, $0x3F800000, v0  }
0x199: {  	[tilespmem:$0x6280] =	vst v16  }
0x19a: {  	[tilespmem:$0x6290] =	vst v14  }
0x19b: {  	[tilespmem:$0x62A0] =	vst v15  }
0x19c: {  	v2 =	vadd.f32 v25, v6;
	[tilespmem:$0x62B0] =	vst v13;
	v3 =	vadd.f32 v30, v22  }
0x19d: {  	v4 =	vadd.f32 v27, v7;
	vm0 =	vlt.f32 v23, v1;
	[tilespmem:$0x62C0] =	vst v12;
	v5 =	vadd.f32 v24, v19  }
0x19e: {  	[tilespmem:$0x62D0] =	vst v11;
	v61 =	vsel vm0, $0x3F800000, v0;
	v2 =	vadd.f32 v23, v2;
	v3 =	vadd.f32 v28, v3  }
0x19f: {  	vm14 =	vlt.f32 v31, v1;
	[tilespmem:$0x62E0] =	vst v10;
	v4 =	vadd.f32 v61, v4;
	v5 =	vadd.f32 v26, v5  }
0x1a0: {  	[tilespmem:$0x62F0] =	vst v9;
	v62 =	vsel vm14, $0x3F800000, v0;
	v2 =	vadd.f32 v31, v2;
	v3 =	vadd.f32 v17, v3  }
0x1a1: {  	vm15 =	vlt.f32 v29, v1;
	[tilespmem:$0x6300] =	vst v8;
	v4 =	vadd.f32 v62, v4;
	v1 =	vadd.f32 v18, v5  }
0x1a2: {  	v63 =	vsel vm15, $0x3F800000, v0;
	v2 =	vadd.f32 v29, v2;
	[tilespmem:$0x6310] =	vst v3  }
0x1a3: {  	s19 =	sadd.s32 $0x1, s19;
	v3 =	vadd.f32 v63, v4;
	[tilespmem:$0x6320] =	vst v1  }
0x1a4: {  	p0 =	sne.s32 s19, s10;
	[tilespmem:$0x6330] =	vst v2  }
.Ltmp5:
0x1a5: {  	[tilespmem:$0x6340] =	vst v3;
	(pc) =	sbr.rel @p0 .LBB2_1-.Ltmp5, $4  }
0x1a6: {  	[hbm4b:s9+s16] =	stream.strided.scatter [tilespmem:s18], [sflag:$0x3], $0x100, s17, s16, $0x38;
	[tilespmem:$0x6380] =	vst v63  }
0x1a7: {  	_ =	swait.ge [sflag:s12], $0x100  }
0x1a8: {  	[sflag:s12] =	ssyncset.done $0x0  }
0x1a9: {  	[sflag:s12] =	ssyncadd.s32 $0xFFFFFF00  }
0x1aa: {  	_ =	sfence.sel $0x180000  }
0x1ab: {  	[bflag:$0x0] =	sbarrier.arrive $0xFFFF  }
0x1ac: {  	p0 =	sne.s32 s0, $0x0;
	_ =	strace $0x90000047  }
0x1ad: {  	s0 =	sadd.s32 @!p0 $0x100000, s2;
	[bflag:$0x2] =	sbarrier.arrive $0xFFFF  }
0x1ae: {  	[sflag:s0] =	ssyncadd.tile.s32 @!p0 $0x1;
	_ =	shalt  }
.Lfunc_end2:
_tile_overlayer_lowered:
.L_overlay_start_2:
0x1af: {  	(tag) =	ssettag $0x2  }
0x1b0: {  	s0 =	rddreg [dreg:$0x0];
	s2 =	stileid.u32  }
0x1b1: {  	s1 =	rddreg [dreg:$0x1];
	p0 =	sne.s32 s2, $0x0  }
0x1b2: {  	s3 =	rddreg [dreg:$0x2];
	[bflag:$0x3] =	sbarrier.arrive $0xFFFF;
	s2 =	simm.s32 @!p0 $0x1C03  }
0x1b3: {  	[timem:s3], [sflag:s2] =	dma.local @!p0 [hbm:s0], s1  }
0x1b4: {  	s0 =	simm.s32 @!p0 $0x3  }
0x1b5: {  	_ =	swait.ge @!p0 [sflag:s0], s1  }
0x1b6: {  	s1 =	ssub.s32 @!p0 $0x0, s1;
	[sflag:s0] =	ssyncset.done @!p0 $0x0  }
0x1b7: {  	[sflag:s0] =	ssyncadd.s32 @!p0 s1  }
0x1b8: {  	[bflag:$0x3] =	sbarrier.arrive $0xFFFF  }
0x1b9: {  	_ =	shalt  }

</sc_bundles>
